<compile_context>
chip_gen: v7x
topology: tpu7x:2x2x1
jax: 0.10.2.dev20260603
libtpu: 0.0.44.dev20260713+nightly
codegen_flags: <defaults>
</compile_context>

<pallas_src>
import functools

import jax
import jax.numpy as jnp
from jax import lax
from jax.experimental import pallas as pl
from jax.experimental.pallas import tpu as pltpu
from jax.experimental.pallas import tpu_sc as plsc

D = 768
EPS = 1e-12


_NC = 2
_NS = 16
_NW = _NC * _NS


def _make_sc_gather(n_tok, chunk):
    b_per_w = n_tok // _NW
    n_chunk = b_per_w // chunk
    mesh = plsc.VectorSubcoreMesh(core_axis_name="c", subcore_axis_name="s")

    @functools.partial(
        pl.kernel,
        mesh=mesh,
        out_type=jax.ShapeDtypeStruct((n_tok, D), jnp.float32),
        scratch_types=[
            pltpu.VMEM((b_per_w,), jnp.int32),
            pltpu.VMEM((chunk, D), jnp.float32),
            pltpu.VMEM((chunk, D), jnp.float32),
            pltpu.SemaphoreType.DMA,
            pltpu.SemaphoreType.DMA,
            pltpu.SemaphoreType.DMA,
            pltpu.SemaphoreType.DMA,
        ],
    )
    def sc_gather(table_hbm, ids_hbm, out_hbm, idx_v, buf0, buf1,
                  sem0, sem1, osem0, osem1):
        wid = lax.axis_index("s") * _NC + lax.axis_index("c")
        base = wid * b_per_w
        pltpu.sync_copy(ids_hbm.at[pl.ds(base, b_per_w)], idx_v)
        bufs = (buf0, buf1)
        sems = (sem0, sem1)
        osems = (osem0, osem1)

        def start(c):
            return pltpu.async_copy(
                table_hbm.at[idx_v.at[pl.ds(c * chunk, chunk)]],
                bufs[c % 2],
                sems[c % 2],
            )

        def start_out(c):
            return pltpu.async_copy(
                bufs[c % 2],
                out_hbm.at[pl.ds(base + c * chunk, chunk)],
                osems[c % 2],
            )

        handles = {}
        out_handles = {}
        handles[0] = start(0)
        if n_chunk > 1:
            handles[1] = start(1)
        for c in range(n_chunk):
            handles[c].wait()
            out_handles[c] = start_out(c)
            if c + 2 < n_chunk:
                out_handles[c].wait()
                handles[c + 2] = start(c + 2)
        for c in range(max(0, n_chunk - 2), n_chunk):
            out_handles[c].wait()

    return sc_gather




def _ln_chunk(g_chunk, tt_chunk, pos_table, type_table, gamma, beta,
              out_prev, chunk_blk0, n_tok, tok_blk):
    c_tok = g_chunk.shape[0]
    s = pos_table.shape[0]
    n_blk = c_tok // tok_blk
    full = lambda shape: pl.BlockSpec(shape, lambda j: tuple(0 for _ in shape))

    def body(g_ref, tt_ref, pos_ref, type_ref, gamma_ref, beta_ref, *rest):
        o_ref = rest[-1]
        j = pl.program_id(0)
        pos_start = ((chunk_blk0 + j) % (s // tok_blk)) * tok_blk
        x = g_ref[...]
        tt = tt_ref[pl.ds(j * tok_blk, tok_blk), :]
        ty = type_ref[...]
        seg = ty[0:1, :] + tt * (ty[1:2, :] - ty[0:1, :])
        x = x + pos_ref[pl.ds(pos_start, tok_blk), :] + seg
        mean = jnp.mean(x, axis=-1, keepdims=True)
        xc = x - mean
        var = jnp.mean(xc * xc, axis=-1, keepdims=True)
        y = xc * lax.rsqrt(var + EPS)
        o_ref[...] = y * gamma_ref[...] + beta_ref[...]

    in_specs = [
        pl.BlockSpec((tok_blk, D), lambda j: (j, 0)),
        full((c_tok, 1)),
        full((s, D)),
        full((2, D)),
        full((1, D)),
        full((1, D)),
    ]
    args = [g_chunk, tt_chunk, pos_table, type_table, gamma, beta]
    aliases = {}
    if out_prev is not None:
        in_specs.append(pl.BlockSpec(memory_space=pl.ANY))
        args.append(out_prev)
        aliases = {6: 0}
    return pl.pallas_call(
        body,
        grid=(n_blk,),
        in_specs=in_specs,
        out_specs=pl.BlockSpec((tok_blk, D), lambda j: (chunk_blk0 + j, 0)),
        out_shape=jax.ShapeDtypeStruct((n_tok, D), jnp.float32),
        input_output_aliases=aliases,
    )(*args)


def kernel(input_ids, token_type_ids, word_table, pos_table, type_table, gamma, beta):
    b, s = input_ids.shape
    n_tok = b * s
    ids = input_ids.reshape(n_tok).astype(jnp.int32)
    tt = token_type_ids.reshape(n_tok, 1).astype(jnp.float32)
    n_chunks = 2
    tok_blk = 2048
    c_tok = n_tok // n_chunks
    sc_gather = _make_sc_gather(c_tok, 64)
    gathered = [
        sc_gather(word_table, lax.slice(ids, (c * c_tok,), ((c + 1) * c_tok,)))
        for c in range(n_chunks)
    ]
    out = None
    for c in range(n_chunks):
        out = _ln_chunk(
            gathered[c],
            lax.slice(tt, (c * c_tok, 0), ((c + 1) * c_tok, 1)),
            pos_table, type_table,
            gamma.reshape(1, D), beta.reshape(1, D),
            out, c * (c_tok // tok_blk), n_tok, tok_blk)
    return out.reshape(b, s, D)

# --- scband reference (transcript-rebuilt; emitter-appended) ---
"""Pipeline reference for scband-bert-embedding-37684043055311 (READ-ONLY COPY).

The authoritative reference and input builder live on the scoring server;
editing this copy changes nothing except your own understanding.
"""

import jax, jax.numpy as jnp
import numpy as np

VOCAB = 100000
N_EMBED = 768
MAX_LEN = 2048
N_SEG = 2
EPS = 1e-12
B, S = 4, 2048

def setup_inputs(seed: int = 0) -> dict:
    key = jax.random.key(seed)
    k1, k2, k3, k4, k5 = jax.random.split(key, 5)
    input_ids = jax.random.randint(k1, (B, S), 0, VOCAB, dtype=jnp.int64) if jax.config.jax_enable_x64 else jax.random.randint(k1, (B, S), 0, VOCAB, dtype=jnp.int32)
    token_type_ids = jax.random.randint(k2, (B, S), 0, N_SEG, dtype=input_ids.dtype)
    word_table = jax.random.normal(k3, (VOCAB, N_EMBED), dtype=jnp.float32) * 0.02
    # padding_idx=0: torch zeros that row at init
    word_table = word_table.at[0].set(0.0)
    pos_table = jax.random.normal(k4, (MAX_LEN, N_EMBED), dtype=jnp.float32) * 0.02
    type_table = jax.random.normal(k5, (N_SEG, N_EMBED), dtype=jnp.float32) * 0.02
    gamma = jnp.ones((N_EMBED,), dtype=jnp.float32)
    beta = jnp.zeros((N_EMBED,), dtype=jnp.float32)
    return {
        "input_ids": input_ids,
        "token_type_ids": token_type_ids,
        "word_table": word_table,
        "pos_table": pos_table,
        "type_table": type_table,
        "gamma": gamma,
        "beta": beta,
    }

def reference(input_ids, token_type_ids, word_table, pos_table, type_table, gamma, beta):
    seq_len = input_ids.shape[1]
    tok_emb = jnp.take(word_table, input_ids, axis=0)          # [B, S, D] gather
    seg_emb = jnp.take(type_table, token_type_ids, axis=0)     # [B, S, D] gather
    position_ids = jnp.arange(seq_len)
    pos_emb = jnp.take(pos_table, position_ids, axis=0)[None]  # [1, S, D]
    emb = tok_emb + seg_emb + pos_emb
    # LayerNorm over last dim, biased variance (matches torch nn.LayerNorm)
    mean = jnp.mean(emb, axis=-1, keepdims=True)
    var = jnp.mean(jnp.square(emb - mean), axis=-1, keepdims=True)
    normed = (emb - mean) / jnp.sqrt(var + EPS)
    out = normed * gamma + beta
    # dropout is identity in eval mode
    return out

if __name__ == "__main__":
    import jax
    _d = setup_inputs()
    print(jax.jit(kernel)(*tuple(_d.values())))

</pallas_src>

<mosaic_0001>
#map = affine_map<(d0, d1) -> (0, 0)>
#map1 = affine_map<(d0, d1) -> (0)>
module attributes {stable_mosaic.version = 14 : i64} {
  func.func @sc_gather(%arg0: i32, %arg1: i32, %arg2: memref<100000x768xf32, #tpu.memory_space<hbm>>, %arg3: memref<4096xi32, #tpu.memory_space<hbm>>, %arg4: memref<4096x768xf32, #tpu.memory_space<hbm>>, %arg5: memref<128xi32, #tpu.memory_space<vmem>>, %arg6: memref<64x768xf32, #tpu.memory_space<vmem>>, %arg7: memref<64x768xf32, #tpu.memory_space<vmem>>, %arg8: memref<!tpu.dma_semaphore, #tpu.memory_space<semaphore_mem>>, %arg9: memref<!tpu.dma_semaphore, #tpu.memory_space<semaphore_mem>>, %arg10: memref<!tpu.dma_semaphore, #tpu.memory_space<semaphore_mem>>, %arg11: memref<!tpu.dma_semaphore, #tpu.memory_space<semaphore_mem>>) attributes {dimension_semantics = [#tpu.dimension_semantics<core_parallel>, #tpu.dimension_semantics<subcore_parallel>], iteration_bounds = array<i64: 2, 16>, scalar_prefetch = 0 : i64, scratch_operands = 7 : i64, tpu.core_type = #tpu.core_type<sc_vector_subcore>, window_params = [{transform_indices = #map}, {transform_indices = #map1}, {transform_indices = #map}]} {
    %mul3A = arith.constant 2 : i32
    %mul3A_0 = arith.muli %arg1, %mul3A : i32
    %add3A = arith.addi %mul3A_0, %arg0 : i32
    %mul3A_1 = arith.constant 128 : i32
    %mul3A_2 = arith.muli %add3A, %mul3A_1 : i32
    "tpu.region"() ({
      %run_scoped3A = tpu.sem_alloc : memref<!tpu.dma_semaphore, #tpu.memory_space<semaphore_mem>>
      %dma_start3A_41 = tpu.memref_slice %arg3[%mul3A_2] : memref<4096xi32, #tpu.memory_space<hbm>> -> memref<128xi32, #tpu.memory_space<hbm>>
      %dma_start3A_42 = tpu.memref_slice %arg3[%mul3A_2] : memref<4096xi32, #tpu.memory_space<hbm>> -> memref<128xi32, #tpu.memory_space<hbm>>
      tpu.enqueue_dma source(%dma_start3A_42 : memref<128xi32, #tpu.memory_space<hbm>>) target(%arg5 : memref<128xi32, #tpu.memory_space<vmem>>) target_semaphore(%run_scoped3A : memref<!tpu.dma_semaphore, #tpu.memory_space<semaphore_mem>>)
      %dma_wait3A_43 = tpu.memref_slice %arg3[%mul3A_2] : memref<4096xi32, #tpu.memory_space<hbm>> -> memref<128xi32, #tpu.memory_space<hbm>>
      %dma_wait3A_44 = tpu.memref_slice %arg3[%mul3A_2] : memref<4096xi32, #tpu.memory_space<hbm>> -> memref<128xi32, #tpu.memory_space<hbm>>
      tpu.wait_dma2 semaphore(%run_scoped3A : memref<!tpu.dma_semaphore, #tpu.memory_space<semaphore_mem>>) src(%dma_wait3A_44 : memref<128xi32, #tpu.memory_space<hbm>>) dst(%arg5 : memref<128xi32, #tpu.memory_space<vmem>>)
      tpu.yield
    }) : () -> ()
    %dma_start3A = arith.constant 0 : i32
    %dma_start3A_3 = tpu.memref_slice %arg5[%dma_start3A] : memref<128xi32, #tpu.memory_space<vmem>> -> memref<64xi32, #tpu.memory_space<vmem>>
    %dma_start3A_4 = arith.constant 0 : i32
    %dma_start3A_5 = arith.constant 0 : i32
    %dma_start3A_6 = tpu.memref_slice %arg2[%dma_start3A_4, %dma_start3A_5] : memref<100000x768xf32, #tpu.memory_space<hbm>> -> memref<100000x768xf32, #tpu.memory_space<hbm>>
    tpu.enqueue_indirect_dma source(%dma_start3A_6 : memref<100000x768xf32, #tpu.memory_space<hbm>>) target(%arg6 : memref<64x768xf32, #tpu.memory_space<vmem>>) offsets(%dma_start3A_3 : memref<64xi32, #tpu.memory_space<vmem>>) semaphore(%arg8 : memref<!tpu.dma_semaphore, #tpu.memory_space<semaphore_mem>>)
    %dma_start3A_7 = arith.constant 64 : i32
    %dma_start3A_8 = tpu.memref_slice %arg5[%dma_start3A_7] : memref<128xi32, #tpu.memory_space<vmem>> -> memref<64xi32, #tpu.memory_space<vmem>>
    %dma_start3A_9 = arith.constant 0 : i32
    %dma_start3A_10 = arith.constant 0 : i32
    %dma_start3A_11 = tpu.memref_slice %arg2[%dma_start3A_9, %dma_start3A_10] : memref<100000x768xf32, #tpu.memory_space<hbm>> -> memref<100000x768xf32, #tpu.memory_space<hbm>>
    tpu.enqueue_indirect_dma source(%dma_start3A_11 : memref<100000x768xf32, #tpu.memory_space<hbm>>) target(%arg7 : memref<64x768xf32, #tpu.memory_space<vmem>>) offsets(%dma_start3A_8 : memref<64xi32, #tpu.memory_space<vmem>>) semaphore(%arg9 : memref<!tpu.dma_semaphore, #tpu.memory_space<semaphore_mem>>)
    %dma_wait3A = arith.constant 0 : i32
    %dma_wait3A_12 = tpu.memref_slice %arg5[%dma_wait3A] : memref<128xi32, #tpu.memory_space<vmem>> -> memref<64xi32, #tpu.memory_space<vmem>>
    %dma_wait3A_13 = arith.constant 0 : i32
    %dma_wait3A_14 = arith.constant 0 : i32
    %dma_wait3A_15 = tpu.memref_slice %arg2[%dma_wait3A_13, %dma_wait3A_14] : memref<100000x768xf32, #tpu.memory_space<hbm>> -> memref<100000x768xf32, #tpu.memory_space<hbm>>
    tpu.wait_indirect_dma semaphore(%arg8 : memref<!tpu.dma_semaphore, #tpu.memory_space<semaphore_mem>>) src(%dma_wait3A_15 : memref<100000x768xf32, #tpu.memory_space<hbm>>) dst(%arg6 : memref<64x768xf32, #tpu.memory_space<vmem>>)
    %add3A_16 = arith.constant 0 : i32
    %add3A_17 = arith.addi %mul3A_2, %add3A_16 : i32
    %dma_start3A_18 = arith.constant 0 : i32
    %dma_start3A_19 = tpu.memref_slice %arg4[%add3A_17, %dma_start3A_18] : memref<4096x768xf32, #tpu.memory_space<hbm>> -> memref<64x768xf32, #tpu.memory_space<hbm>>
    %dma_start3A_20 = arith.constant 0 : i32
    %dma_start3A_21 = tpu.memref_slice %arg4[%add3A_17, %dma_start3A_20] : memref<4096x768xf32, #tpu.memory_space<hbm>> -> memref<64x768xf32, #tpu.memory_space<hbm>>
    tpu.enqueue_dma source(%arg6 : memref<64x768xf32, #tpu.memory_space<vmem>>) target(%dma_start3A_21 : memref<64x768xf32, #tpu.memory_space<hbm>>) target_semaphore(%arg10 : memref<!tpu.dma_semaphore, #tpu.memory_space<semaphore_mem>>)
    %dma_wait3A_22 = arith.constant 64 : i32
    %dma_wait3A_23 = tpu.memref_slice %arg5[%dma_wait3A_22] : memref<128xi32, #tpu.memory_space<vmem>> -> memref<64xi32, #tpu.memory_space<vmem>>
    %dma_wait3A_24 = arith.constant 0 : i32
    %dma_wait3A_25 = arith.constant 0 : i32
    %dma_wait3A_26 = tpu.memref_slice %arg2[%dma_wait3A_24, %dma_wait3A_25] : memref<100000x768xf32, #tpu.memory_space<hbm>> -> memref<100000x768xf32, #tpu.memory_space<hbm>>
    tpu.wait_indirect_dma semaphore(%arg9 : memref<!tpu.dma_semaphore, #tpu.memory_space<semaphore_mem>>) src(%dma_wait3A_26 : memref<100000x768xf32, #tpu.memory_space<hbm>>) dst(%arg7 : memref<64x768xf32, #tpu.memory_space<vmem>>)
    %add3A_27 = arith.constant 64 : i32
    %add3A_28 = arith.addi %mul3A_2, %add3A_27 : i32
    %dma_start3A_29 = arith.constant 0 : i32
    %dma_start3A_30 = tpu.memref_slice %arg4[%add3A_28, %dma_start3A_29] : memref<4096x768xf32, #tpu.memory_space<hbm>> -> memref<64x768xf32, #tpu.memory_space<hbm>>
    %dma_start3A_31 = arith.constant 0 : i32
    %dma_start3A_32 = tpu.memref_slice %arg4[%add3A_28, %dma_start3A_31] : memref<4096x768xf32, #tpu.memory_space<hbm>> -> memref<64x768xf32, #tpu.memory_space<hbm>>
    tpu.enqueue_dma source(%arg7 : memref<64x768xf32, #tpu.memory_space<vmem>>) target(%dma_start3A_32 : memref<64x768xf32, #tpu.memory_space<hbm>>) target_semaphore(%arg11 : memref<!tpu.dma_semaphore, #tpu.memory_space<semaphore_mem>>)
    %dma_wait3A_33 = arith.constant 0 : i32
    %dma_wait3A_34 = tpu.memref_slice %arg4[%add3A_17, %dma_wait3A_33] : memref<4096x768xf32, #tpu.memory_space<hbm>> -> memref<64x768xf32, #tpu.memory_space<hbm>>
    %dma_wait3A_35 = arith.constant 0 : i32
    %dma_wait3A_36 = tpu.memref_slice %arg4[%add3A_17, %dma_wait3A_35] : memref<4096x768xf32, #tpu.memory_space<hbm>> -> memref<64x768xf32, #tpu.memory_space<hbm>>
    tpu.wait_dma2 semaphore(%arg10 : memref<!tpu.dma_semaphore, #tpu.memory_space<semaphore_mem>>) src(%arg6 : memref<64x768xf32, #tpu.memory_space<vmem>>) dst(%dma_wait3A_36 : memref<64x768xf32, #tpu.memory_space<hbm>>)
    %dma_wait3A_37 = arith.constant 0 : i32
    %dma_wait3A_38 = tpu.memref_slice %arg4[%add3A_28, %dma_wait3A_37] : memref<4096x768xf32, #tpu.memory_space<hbm>> -> memref<64x768xf32, #tpu.memory_space<hbm>>
    %dma_wait3A_39 = arith.constant 0 : i32
    %dma_wait3A_40 = tpu.memref_slice %arg4[%add3A_28, %dma_wait3A_39] : memref<4096x768xf32, #tpu.memory_space<hbm>> -> memref<64x768xf32, #tpu.memory_space<hbm>>
    tpu.wait_dma2 semaphore(%arg11 : memref<!tpu.dma_semaphore, #tpu.memory_space<semaphore_mem>>) src(%arg7 : memref<64x768xf32, #tpu.memory_space<vmem>>) dst(%dma_wait3A_40 : memref<64x768xf32, #tpu.memory_space<hbm>>)
    return
  }
}

#map = affine_map<(d0, d1) -> (0, 0)>
#map1 = affine_map<(d0, d1) -> (0)>
module attributes {stable_mosaic.version = 14 : i64} {
  func.func @sc_gather(%arg0: i32, %arg1: i32, %arg2: memref<100000x768xf32, #tpu.memory_space<hbm>>, %arg3: memref<4096xi32, #tpu.memory_space<hbm>>, %arg4: memref<4096x768xf32, #tpu.memory_space<hbm>>, %arg5: memref<128xi32, #tpu.memory_space<vmem>>, %arg6: memref<64x768xf32, #tpu.memory_space<vmem>>, %arg7: memref<64x768xf32, #tpu.memory_space<vmem>>, %arg8: memref<!tpu.dma_semaphore, #tpu.memory_space<semaphore_mem>>, %arg9: memref<!tpu.dma_semaphore, #tpu.memory_space<semaphore_mem>>, %arg10: memref<!tpu.dma_semaphore, #tpu.memory_space<semaphore_mem>>, %arg11: memref<!tpu.dma_semaphore, #tpu.memory_space<semaphore_mem>>) attributes {dimension_semantics = [#tpu.dimension_semantics<core_parallel>, #tpu.dimension_semantics<subcore_parallel>], iteration_bounds = array<i64: 2, 16>, scalar_prefetch = 0 : i64, scratch_operands = 7 : i64, tpu.core_type = #tpu.core_type<sc_vector_subcore>, window_params = [{transform_indices = #map}, {transform_indices = #map1}, {transform_indices = #map}]} {
    %mul3A = arith.constant 2 : i32
    %mul3A_0 = arith.muli %arg1, %mul3A : i32
    %add3A = arith.addi %mul3A_0, %arg0 : i32
    %mul3A_1 = arith.constant 128 : i32
    %mul3A_2 = arith.muli %add3A, %mul3A_1 : i32
    "tpu.region"() ({
      %run_scoped3A = tpu.sem_alloc : memref<!tpu.dma_semaphore, #tpu.memory_space<semaphore_mem>>
      %dma_start3A_41 = tpu.memref_slice %arg3[%mul3A_2] : memref<4096xi32, #tpu.memory_space<hbm>> -> memref<128xi32, #tpu.memory_space<hbm>>
      %dma_start3A_42 = tpu.memref_slice %arg3[%mul3A_2] : memref<4096xi32, #tpu.memory_space<hbm>> -> memref<128xi32, #tpu.memory_space<hbm>>
      tpu.enqueue_dma source(%dma_start3A_42 : memref<128xi32, #tpu.memory_space<hbm>>) target(%arg5 : memref<128xi32, #tpu.memory_space<vmem>>) target_semaphore(%run_scoped3A : memref<!tpu.dma_semaphore, #tpu.memory_space<semaphore_mem>>)
      %dma_wait3A_43 = tpu.memref_slice %arg3[%mul3A_2] : memref<4096xi32, #tpu.memory_space<hbm>> -> memref<128xi32, #tpu.memory_space<hbm>>
      %dma_wait3A_44 = tpu.memref_slice %arg3[%mul3A_2] : memref<4096xi32, #tpu.memory_space<hbm>> -> memref<128xi32, #tpu.memory_space<hbm>>
      tpu.wait_dma2 semaphore(%run_scoped3A : memref<!tpu.dma_semaphore, #tpu.memory_space<semaphore_mem>>) src(%dma_wait3A_44 : memref<128xi32, #tpu.memory_space<hbm>>) dst(%arg5 : memref<128xi32, #tpu.memory_space<vmem>>)
      tpu.yield
    }) : () -> ()
    %dma_start3A = arith.constant 0 : i32
    %dma_start3A_3 = tpu.memref_slice %arg5[%dma_start3A] : memref<128xi32, #tpu.memory_space<vmem>> -> memref<64xi32, #tpu.memory_space<vmem>>
    %dma_start3A_4 = arith.constant 0 : i32
    %dma_start3A_5 = arith.constant 0 : i32
    %dma_start3A_6 = tpu.memref_slice %arg2[%dma_start3A_4, %dma_start3A_5] : memref<100000x768xf32, #tpu.memory_space<hbm>> -> memref<100000x768xf32, #tpu.memory_space<hbm>>
    tpu.enqueue_indirect_dma source(%dma_start3A_6 : memref<100000x768xf32, #tpu.memory_space<hbm>>) target(%arg6 : memref<64x768xf32, #tpu.memory_space<vmem>>) offsets(%dma_start3A_3 : memref<64xi32, #tpu.memory_space<vmem>>) semaphore(%arg8 : memref<!tpu.dma_semaphore, #tpu.memory_space<semaphore_mem>>)
    %dma_start3A_7 = arith.constant 64 : i32
    %dma_start3A_8 = tpu.memref_slice %arg5[%dma_start3A_7] : memref<128xi32, #tpu.memory_space<vmem>> -> memref<64xi32, #tpu.memory_space<vmem>>
    %dma_start3A_9 = arith.constant 0 : i32
    %dma_start3A_10 = arith.constant 0 : i32
    %dma_start3A_11 = tpu.memref_slice %arg2[%dma_start3A_9, %dma_start3A_10] : memref<100000x768xf32, #tpu.memory_space<hbm>> -> memref<100000x768xf32, #tpu.memory_space<hbm>>
    tpu.enqueue_indirect_dma source(%dma_start3A_11 : memref<100000x768xf32, #tpu.memory_space<hbm>>) target(%arg7 : memref<64x768xf32, #tpu.memory_space<vmem>>) offsets(%dma_start3A_8 : memref<64xi32, #tpu.memory_space<vmem>>) semaphore(%arg9 : memref<!tpu.dma_semaphore, #tpu.memory_space<semaphore_mem>>)
    %dma_wait3A = arith.constant 0 : i32
    %dma_wait3A_12 = tpu.memref_slice %arg5[%dma_wait3A] : memref<128xi32, #tpu.memory_space<vmem>> -> memref<64xi32, #tpu.memory_space<vmem>>
    %dma_wait3A_13 = arith.constant 0 : i32
    %dma_wait3A_14 = arith.constant 0 : i32
    %dma_wait3A_15 = tpu.memref_slice %arg2[%dma_wait3A_13, %dma_wait3A_14] : memref<100000x768xf32, #tpu.memory_space<hbm>> -> memref<100000x768xf32, #tpu.memory_space<hbm>>
    tpu.wait_indirect_dma semaphore(%arg8 : memref<!tpu.dma_semaphore, #tpu.memory_space<semaphore_mem>>) src(%dma_wait3A_15 : memref<100000x768xf32, #tpu.memory_space<hbm>>) dst(%arg6 : memref<64x768xf32, #tpu.memory_space<vmem>>)
    %add3A_16 = arith.constant 0 : i32
    %add3A_17 = arith.addi %mul3A_2, %add3A_16 : i32
    %dma_start3A_18 = arith.constant 0 : i32
    %dma_start3A_19 = tpu.memref_slice %arg4[%add3A_17, %dma_start3A_18] : memref<4096x768xf32, #tpu.memory_space<hbm>> -> memref<64x768xf32, #tpu.memory_space<hbm>>
    %dma_start3A_20 = arith.constant 0 : i32
    %dma_start3A_21 = tpu.memref_slice %arg4[%add3A_17, %dma_start3A_20] : memref<4096x768xf32, #tpu.memory_space<hbm>> -> memref<64x768xf32, #tpu.memory_space<hbm>>
    tpu.enqueue_dma source(%arg6 : memref<64x768xf32, #tpu.memory_space<vmem>>) target(%dma_start3A_21 : memref<64x768xf32, #tpu.memory_space<hbm>>) target_semaphore(%arg10 : memref<!tpu.dma_semaphore, #tpu.memory_space<semaphore_mem>>)
    %dma_wait3A_22 = arith.constant 64 : i32
    %dma_wait3A_23 = tpu.memref_slice %arg5[%dma_wait3A_22] : memref<128xi32, #tpu.memory_space<vmem>> -> memref<64xi32, #tpu.memory_space<vmem>>
    %dma_wait3A_24 = arith.constant 0 : i32
    %dma_wait3A_25 = arith.constant 0 : i32
    %dma_wait3A_26 = tpu.memref_slice %arg2[%dma_wait3A_24, %dma_wait3A_25] : memref<100000x768xf32, #tpu.memory_space<hbm>> -> memref<100000x768xf32, #tpu.memory_space<hbm>>
    tpu.wait_indirect_dma semaphore(%arg9 : memref<!tpu.dma_semaphore, #tpu.memory_space<semaphore_mem>>) src(%dma_wait3A_26 : memref<100000x768xf32, #tpu.memory_space<hbm>>) dst(%arg7 : memref<64x768xf32, #tpu.memory_space<vmem>>)
    %add3A_27 = arith.constant 64 : i32
    %add3A_28 = arith.addi %mul3A_2, %add3A_27 : i32
    %dma_start3A_29 = arith.constant 0 : i32
    %dma_start3A_30 = tpu.memref_slice %arg4[%add3A_28, %dma_start3A_29] : memref<4096x768xf32, #tpu.memory_space<hbm>> -> memref<64x768xf32, #tpu.memory_space<hbm>>
    %dma_start3A_31 = arith.constant 0 : i32
    %dma_start3A_32 = tpu.memref_slice %arg4[%add3A_28, %dma_start3A_31] : memref<4096x768xf32, #tpu.memory_space<hbm>> -> memref<64x768xf32, #tpu.memory_space<hbm>>
    tpu.enqueue_dma source(%arg7 : memref<64x768xf32, #tpu.memory_space<vmem>>) target(%dma_start3A_32 : memref<64x768xf32, #tpu.memory_space<hbm>>) target_semaphore(%arg11 : memref<!tpu.dma_semaphore, #tpu.memory_space<semaphore_mem>>)
    %dma_wait3A_33 = arith.constant 0 : i32
    %dma_wait3A_34 = tpu.memref_slice %arg4[%add3A_17, %dma_wait3A_33] : memref<4096x768xf32, #tpu.memory_space<hbm>> -> memref<64x768xf32, #tpu.memory_space<hbm>>
    %dma_wait3A_35 = arith.constant 0 : i32
    %dma_wait3A_36 = tpu.memref_slice %arg4[%add3A_17, %dma_wait3A_35] : memref<4096x768xf32, #tpu.memory_space<hbm>> -> memref<64x768xf32, #tpu.memory_space<hbm>>
    tpu.wait_dma2 semaphore(%arg10 : memref<!tpu.dma_semaphore, #tpu.memory_space<semaphore_mem>>) src(%arg6 : memref<64x768xf32, #tpu.memory_space<vmem>>) dst(%dma_wait3A_36 : memref<64x768xf32, #tpu.memory_space<hbm>>)
    %dma_wait3A_37 = arith.constant 0 : i32
    %dma_wait3A_38 = tpu.memref_slice %arg4[%add3A_28, %dma_wait3A_37] : memref<4096x768xf32, #tpu.memory_space<hbm>> -> memref<64x768xf32, #tpu.memory_space<hbm>>
    %dma_wait3A_39 = arith.constant 0 : i32
    %dma_wait3A_40 = tpu.memref_slice %arg4[%add3A_28, %dma_wait3A_39] : memref<4096x768xf32, #tpu.memory_space<hbm>> -> memref<64x768xf32, #tpu.memory_space<hbm>>
    tpu.wait_dma2 semaphore(%arg11 : memref<!tpu.dma_semaphore, #tpu.memory_space<semaphore_mem>>) src(%arg7 : memref<64x768xf32, #tpu.memory_space<vmem>>) dst(%dma_wait3A_40 : memref<64x768xf32, #tpu.memory_space<hbm>>)
    return
  }
}

module attributes {stable_mosaic.version = 14 : i64} {
  func.func @body(%arg0: i32, %arg1: memref<2048x768xf32, #tpu.memory_space<vmem>>, %arg2: memref<4096x1xf32, #tpu.memory_space<vmem>>, %arg3: memref<2048x768xf32, #tpu.memory_space<vmem>>, %arg4: memref<2x768xf32, #tpu.memory_space<vmem>>, %arg5: memref<1x768xf32, #tpu.memory_space<vmem>>, %arg6: memref<1x768xf32, #tpu.memory_space<vmem>>, %arg7: memref<2048x768xf32, #tpu.memory_space<vmem>>) attributes {dimension_semantics = [#tpu.dimension_semantics<arbitrary>], iteration_bounds = array<i64: 2>, scalar_prefetch = 0 : i64, scratch_operands = 0 : i64, tpu.core_type = #tpu.core_type<tc>, window_params = [{transform_indices = @transform_0, window_bounds = array<i64: 2048, 768>}, {pipeline_mode = #tpu.pipeline_mode<synchronous>, transform_indices = @transform_1, window_bounds = array<i64: 4096, 1>}, {pipeline_mode = #tpu.pipeline_mode<synchronous>, transform_indices = @transform_2, window_bounds = array<i64: 2048, 768>}, {pipeline_mode = #tpu.pipeline_mode<synchronous>, transform_indices = @transform_3, window_bounds = array<i64: 2, 768>}, {pipeline_mode = #tpu.pipeline_mode<synchronous>, transform_indices = @transform_4, window_bounds = array<i64: 1, 768>}, {pipeline_mode = #tpu.pipeline_mode<synchronous>, transform_indices = @transform_5, window_bounds = array<i64: 1, 768>}, {transform_indices = @transform_6, window_bounds = array<i64: 2048, 768>}]} {
    %add3A = arith.constant 0 : i32
    %add3A_0 = arith.addi %add3A, %arg0 : i32
    %jit3A = arith.constant 1 : i32
    %eq3A = arith.constant 0 : i32
    %eq3A_1 = arith.cmpi eq, %jit3A, %eq3A : i32
    %jit3A_2 = arith.constant 1 : i32
    %select_n3A = arith.select %eq3A_1, %jit3A_2, %jit3A : i32
    %rem3A = arith.remsi %add3A_0, %select_n3A : i32
    %ne3A = arith.constant 0 : i32
    %ne3A_3 = arith.cmpi ne, %rem3A, %ne3A : i32
    %lt3A = arith.constant 0 : i32
    %lt3A_4 = arith.cmpi slt, %rem3A, %lt3A : i32
    %lt3A_5 = arith.constant 0 : i32
    %lt3A_6 = arith.cmpi slt, %select_n3A, %lt3A_5 : i32
    %ne3A_7 = arith.xori %lt3A_4, %lt3A_6 : i1
    %and3A = arith.andi %ne3A_7, %ne3A_3 : i1
    %add3A_8 = arith.addi %rem3A, %select_n3A : i32
    %select_n3A_9 = arith.select %and3A, %add3A_8, %rem3A : i32
    %mul3A = arith.constant 2048 : i32
    %mul3A_10 = arith.muli %select_n3A_9, %mul3A : i32
    %get3A = arith.constant 0 : index
    %get3A_11 = arith.constant 0 : index
    %get3A_12 = vector.load %arg1[%get3A, %get3A_11] : memref<2048x768xf32, #tpu.memory_space<vmem>>, vector<2048x768xf32>
    %mul3A_13 = arith.constant 2048 : i32
    %mul3A_14 = arith.muli %arg0, %mul3A_13 : i32
    %get3A_15 = arith.index_cast %mul3A_14 : i32 to index
    %get3A_16 = arith.constant 0 : index
    %get3A_17 = vector.load %arg2[%get3A_15, %get3A_16] : memref<4096x1xf32, #tpu.memory_space<vmem>>, vector<2048x1xf32>
    %get3A_18 = arith.constant 0 : index
    %get3A_19 = arith.constant 0 : index
    %get3A_20 = vector.load %arg4[%get3A_18, %get3A_19] : memref<2x768xf32, #tpu.memory_space<vmem>>, vector<2x768xf32>
    %slice3A = vector.extract_strided_slice %get3A_20 {offsets = [0, 0], sizes = [1, 768], strides = [1, 1]} : vector<2x768xf32> to vector<1x768xf32>
    %slice3A_21 = vector.extract_strided_slice %get3A_20 {offsets = [1, 0], sizes = [1, 768], strides = [1, 1]} : vector<2x768xf32> to vector<1x768xf32>
    %slice3A_22 = vector.extract_strided_slice %get3A_20 {offsets = [0, 0], sizes = [1, 768], strides = [1, 1]} : vector<2x768xf32> to vector<1x768xf32>
    %sub3A = arith.subf %slice3A_21, %slice3A_22 : vector<1x768xf32>
    %mul3A_23 = vector.broadcast %get3A_17 : vector<2048x1xf32> to vector<2048x768xf32>
    %mul3A_24 = vector.broadcast %sub3A : vector<1x768xf32> to vector<2048x768xf32>
    %mul3A_25 = arith.mulf %mul3A_23, %mul3A_24 : vector<2048x768xf32>
    %add3A_26 = vector.broadcast %slice3A : vector<1x768xf32> to vector<2048x768xf32>
    %add3A_27 = arith.addf %add3A_26, %mul3A_25 : vector<2048x768xf32>
    %get3A_28 = arith.index_cast %mul3A_10 : i32 to index
    %get3A_29 = arith.constant 0 : index
    %get3A_30 = vector.load %arg3[%get3A_28, %get3A_29] : memref<2048x768xf32, #tpu.memory_space<vmem>>, vector<2048x768xf32>
    %add3A_31 = arith.addf %get3A_12, %get3A_30 : vector<2048x768xf32>
    %add3A_32 = arith.addf %add3A_31, %add3A_27 : vector<2048x768xf32>
    %reduce_sum3A = arith.constant dense<0.000000e+00> : vector<2048xf32>
    %reduce_sum3A_33 = vector.multi_reduction <add>, %add3A_32, %reduce_sum3A [1] : vector<2048x768xf32> to vector<2048xf32>
    %broadcast_in_dim3A = vector.shape_cast %reduce_sum3A_33 : vector<2048xf32> to vector<2048x1xf32>
    %div3A = arith.constant 7.680000e+02 : f32
    %div3A_34 = vector.broadcast %div3A : f32 to vector<2048x1xf32>
    %div3A_35 = arith.divf %broadcast_in_dim3A, %div3A_34 : vector<2048x1xf32>
    %sub3A_36 = vector.broadcast %div3A_35 : vector<2048x1xf32> to vector<2048x768xf32>
    %sub3A_37 = arith.subf %add3A_32, %sub3A_36 : vector<2048x768xf32>
    %mul3A_38 = arith.mulf %sub3A_37, %sub3A_37 : vector<2048x768xf32>
    %reduce_sum3A_39 = arith.constant dense<0.000000e+00> : vector<2048xf32>
    %reduce_sum3A_40 = vector.multi_reduction <add>, %mul3A_38, %reduce_sum3A_39 [1] : vector<2048x768xf32> to vector<2048xf32>
    %broadcast_in_dim3A_41 = vector.shape_cast %reduce_sum3A_40 : vector<2048xf32> to vector<2048x1xf32>
    %div3A_42 = arith.constant 7.680000e+02 : f32
    %div3A_43 = vector.broadcast %div3A_42 : f32 to vector<2048x1xf32>
    %div3A_44 = arith.divf %broadcast_in_dim3A_41, %div3A_43 : vector<2048x1xf32>
    %add3A_45 = arith.constant 9.99999996E-13 : f32
    %add3A_46 = vector.broadcast %add3A_45 : f32 to vector<2048x1xf32>
    %add3A_47 = arith.addf %div3A_44, %add3A_46 : vector<2048x1xf32>
    %rsqrt3A = math.rsqrt %add3A_47 : vector<2048x1xf32>
    %mul3A_48 = vector.broadcast %rsqrt3A : vector<2048x1xf32> to vector<2048x768xf32>
    %mul3A_49 = arith.mulf %sub3A_37, %mul3A_48 : vector<2048x768xf32>
    %get3A_50 = arith.constant 0 : index
    %get3A_51 = arith.constant 0 : index
    %get3A_52 = vector.load %arg5[%get3A_50, %get3A_51] : memref<1x768xf32, #tpu.memory_space<vmem>>, vector<1x768xf32>
    %mul3A_53 = vector.broadcast %get3A_52 : vector<1x768xf32> to vector<2048x768xf32>
    %mul3A_54 = arith.mulf %mul3A_49, %mul3A_53 : vector<2048x768xf32>
    %get3A_55 = arith.constant 0 : index
    %get3A_56 = arith.constant 0 : index
    %get3A_57 = vector.load %arg6[%get3A_55, %get3A_56] : memref<1x768xf32, #tpu.memory_space<vmem>>, vector<1x768xf32>
    %add3A_58 = vector.broadcast %get3A_57 : vector<1x768xf32> to vector<2048x768xf32>
    %add3A_59 = arith.addf %mul3A_54, %add3A_58 : vector<2048x768xf32>
    %swap3A = arith.constant 0 : index
    %swap3A_60 = arith.constant 0 : index
    %swap3A_61 = vector.load %arg7[%swap3A, %swap3A_60] : memref<2048x768xf32, #tpu.memory_space<vmem>>, vector<2048x768xf32>
    tpu.vector_store %arg7[%swap3A, %swap3A_60], %add3A_59 {strides = array<i32>} : memref<2048x768xf32, #tpu.memory_space<vmem>>, vector<2048x768xf32>,
    return
  }
  func.func @transform_0(%arg0: i32) -> (i32, i32) {
    %c0_i32 = arith.constant 0 : i32
    %c0_i32_0 = arith.constant 0 : i32
    return %arg0, %c0_i32 : i32, i32
  }
  func.func @transform_1(%arg0: i32) -> (i32, i32) {
    %c0_i32 = arith.constant 0 : i32
    %c0_i32_0 = arith.constant 0 : i32
    %c0_i32_1 = arith.constant 0 : i32
    return %c0_i32, %c0_i32_0 : i32, i32
  }
  func.func @transform_2(%arg0: i32) -> (i32, i32) {
    %c0_i32 = arith.constant 0 : i32
    %c0_i32_0 = arith.constant 0 : i32
    %c0_i32_1 = arith.constant 0 : i32
    return %c0_i32, %c0_i32_0 : i32, i32
  }
  func.func @transform_3(%arg0: i32) -> (i32, i32) {
    %c0_i32 = arith.constant 0 : i32
    %c0_i32_0 = arith.constant 0 : i32
    %c0_i32_1 = arith.constant 0 : i32
    return %c0_i32, %c0_i32_0 : i32, i32
  }
  func.func @transform_4(%arg0: i32) -> (i32, i32) {
    %c0_i32 = arith.constant 0 : i32
    %c0_i32_0 = arith.constant 0 : i32
    %c0_i32_1 = arith.constant 0 : i32
    return %c0_i32, %c0_i32_0 : i32, i32
  }
  func.func @transform_5(%arg0: i32) -> (i32, i32) {
    %c0_i32 = arith.constant 0 : i32
    %c0_i32_0 = arith.constant 0 : i32
    %c0_i32_1 = arith.constant 0 : i32
    return %c0_i32, %c0_i32_0 : i32, i32
  }
  func.func @transform_6(%arg0: i32) -> (i32, i32) {
    %add3A = arith.constant 0 : i32
    %add3A_0 = arith.addi %add3A, %arg0 : i32
    %c0_i32 = arith.constant 0 : i32
    %c0_i32_1 = arith.constant 0 : i32
    return %add3A_0, %c0_i32 : i32, i32
  }
}

module attributes {stable_mosaic.version = 14 : i64} {
  func.func @body(%arg0: i32, %arg1: memref<2048x768xf32, #tpu.memory_space<vmem>>, %arg2: memref<4096x1xf32, #tpu.memory_space<vmem>>, %arg3: memref<2048x768xf32, #tpu.memory_space<vmem>>, %arg4: memref<2x768xf32, #tpu.memory_space<vmem>>, %arg5: memref<1x768xf32, #tpu.memory_space<vmem>>, %arg6: memref<1x768xf32, #tpu.memory_space<vmem>>, %arg7: memref<8192x768xf32, #tpu.memory_space<any>>, %arg8: memref<2048x768xf32, #tpu.memory_space<vmem>>) attributes {dimension_semantics = [#tpu.dimension_semantics<arbitrary>], iteration_bounds = array<i64: 2>, scalar_prefetch = 0 : i64, scratch_operands = 0 : i64, tpu.core_type = #tpu.core_type<tc>, window_params = [{transform_indices = @transform_0, window_bounds = array<i64: 2048, 768>}, {pipeline_mode = #tpu.pipeline_mode<synchronous>, transform_indices = @transform_1, window_bounds = array<i64: 4096, 1>}, {pipeline_mode = #tpu.pipeline_mode<synchronous>, transform_indices = @transform_2, window_bounds = array<i64: 2048, 768>}, {pipeline_mode = #tpu.pipeline_mode<synchronous>, transform_indices = @transform_3, window_bounds = array<i64: 2, 768>}, {pipeline_mode = #tpu.pipeline_mode<synchronous>, transform_indices = @transform_4, window_bounds = array<i64: 1, 768>}, {pipeline_mode = #tpu.pipeline_mode<synchronous>, transform_indices = @transform_5, window_bounds = array<i64: 1, 768>}, {}, {transform_indices = @transform_7, window_bounds = array<i64: 2048, 768>}]} {
    %add3A = arith.constant 2 : i32
    %add3A_0 = arith.addi %add3A, %arg0 : i32
    %jit3A = arith.constant 1 : i32
    %eq3A = arith.constant 0 : i32
    %eq3A_1 = arith.cmpi eq, %jit3A, %eq3A : i32
    %jit3A_2 = arith.constant 1 : i32
    %select_n3A = arith.select %eq3A_1, %jit3A_2, %jit3A : i32
    %rem3A = arith.remsi %add3A_0, %select_n3A : i32
    %ne3A = arith.constant 0 : i32
    %ne3A_3 = arith.cmpi ne, %rem3A, %ne3A : i32
    %lt3A = arith.constant 0 : i32
    %lt3A_4 = arith.cmpi slt, %rem3A, %lt3A : i32
    %lt3A_5 = arith.constant 0 : i32
    %lt3A_6 = arith.cmpi slt, %select_n3A, %lt3A_5 : i32
    %ne3A_7 = arith.xori %lt3A_4, %lt3A_6 : i1
    %and3A = arith.andi %ne3A_7, %ne3A_3 : i1
    %add3A_8 = arith.addi %rem3A, %select_n3A : i32
    %select_n3A_9 = arith.select %and3A, %add3A_8, %rem3A : i32
    %mul3A = arith.constant 2048 : i32
    %mul3A_10 = arith.muli %select_n3A_9, %mul3A : i32
    %get3A = arith.constant 0 : index
    %get3A_11 = arith.constant 0 : index
    %get3A_12 = vector.load %arg1[%get3A, %get3A_11] : memref<2048x768xf32, #tpu.memory_space<vmem>>, vector<2048x768xf32>
    %mul3A_13 = arith.constant 2048 : i32
    %mul3A_14 = arith.muli %arg0, %mul3A_13 : i32
    %get3A_15 = arith.index_cast %mul3A_14 : i32 to index
    %get3A_16 = arith.constant 0 : index
    %get3A_17 = vector.load %arg2[%get3A_15, %get3A_16] : memref<4096x1xf32, #tpu.memory_space<vmem>>, vector<2048x1xf32>
    %get3A_18 = arith.constant 0 : index
    %get3A_19 = arith.constant 0 : index
    %get3A_20 = vector.load %arg4[%get3A_18, %get3A_19] : memref<2x768xf32, #tpu.memory_space<vmem>>, vector<2x768xf32>
    %slice3A = vector.extract_strided_slice %get3A_20 {offsets = [0, 0], sizes = [1, 768], strides = [1, 1]} : vector<2x768xf32> to vector<1x768xf32>
    %slice3A_21 = vector.extract_strided_slice %get3A_20 {offsets = [1, 0], sizes = [1, 768], strides = [1, 1]} : vector<2x768xf32> to vector<1x768xf32>
    %slice3A_22 = vector.extract_strided_slice %get3A_20 {offsets = [0, 0], sizes = [1, 768], strides = [1, 1]} : vector<2x768xf32> to vector<1x768xf32>
    %sub3A = arith.subf %slice3A_21, %slice3A_22 : vector<1x768xf32>
    %mul3A_23 = vector.broadcast %get3A_17 : vector<2048x1xf32> to vector<2048x768xf32>
    %mul3A_24 = vector.broadcast %sub3A : vector<1x768xf32> to vector<2048x768xf32>
    %mul3A_25 = arith.mulf %mul3A_23, %mul3A_24 : vector<2048x768xf32>
    %add3A_26 = vector.broadcast %slice3A : vector<1x768xf32> to vector<2048x768xf32>
    %add3A_27 = arith.addf %add3A_26, %mul3A_25 : vector<2048x768xf32>
    %get3A_28 = arith.index_cast %mul3A_10 : i32 to index
    %get3A_29 = arith.constant 0 : index
    %get3A_30 = vector.load %arg3[%get3A_28, %get3A_29] : memref<2048x768xf32, #tpu.memory_space<vmem>>, vector<2048x768xf32>
    %add3A_31 = arith.addf %get3A_12, %get3A_30 : vector<2048x768xf32>
    %add3A_32 = arith.addf %add3A_31, %add3A_27 : vector<2048x768xf32>
    %reduce_sum3A = arith.constant dense<0.000000e+00> : vector<2048xf32>
    %reduce_sum3A_33 = vector.multi_reduction <add>, %add3A_32, %reduce_sum3A [1] : vector<2048x768xf32> to vector<2048xf32>
    %broadcast_in_dim3A = vector.shape_cast %reduce_sum3A_33 : vector<2048xf32> to vector<2048x1xf32>
    %div3A = arith.constant 7.680000e+02 : f32
    %div3A_34 = vector.broadcast %div3A : f32 to vector<2048x1xf32>
    %div3A_35 = arith.divf %broadcast_in_dim3A, %div3A_34 : vector<2048x1xf32>
    %sub3A_36 = vector.broadcast %div3A_35 : vector<2048x1xf32> to vector<2048x768xf32>
    %sub3A_37 = arith.subf %add3A_32, %sub3A_36 : vector<2048x768xf32>
    %mul3A_38 = arith.mulf %sub3A_37, %sub3A_37 : vector<2048x768xf32>
    %reduce_sum3A_39 = arith.constant dense<0.000000e+00> : vector<2048xf32>
    %reduce_sum3A_40 = vector.multi_reduction <add>, %mul3A_38, %reduce_sum3A_39 [1] : vector<2048x768xf32> to vector<2048xf32>
    %broadcast_in_dim3A_41 = vector.shape_cast %reduce_sum3A_40 : vector<2048xf32> to vector<2048x1xf32>
    %div3A_42 = arith.constant 7.680000e+02 : f32
    %div3A_43 = vector.broadcast %div3A_42 : f32 to vector<2048x1xf32>
    %div3A_44 = arith.divf %broadcast_in_dim3A_41, %div3A_43 : vector<2048x1xf32>
    %add3A_45 = arith.constant 9.99999996E-13 : f32
    %add3A_46 = vector.broadcast %add3A_45 : f32 to vector<2048x1xf32>
    %add3A_47 = arith.addf %div3A_44, %add3A_46 : vector<2048x1xf32>
    %rsqrt3A = math.rsqrt %add3A_47 : vector<2048x1xf32>
    %mul3A_48 = vector.broadcast %rsqrt3A : vector<2048x1xf32> to vector<2048x768xf32>
    %mul3A_49 = arith.mulf %sub3A_37, %mul3A_48 : vector<2048x768xf32>
    %get3A_50 = arith.constant 0 : index
    %get3A_51 = arith.constant 0 : index
    %get3A_52 = vector.load %arg5[%get3A_50, %get3A_51] : memref<1x768xf32, #tpu.memory_space<vmem>>, vector<1x768xf32>
    %mul3A_53 = vector.broadcast %get3A_52 : vector<1x768xf32> to vector<2048x768xf32>
    %mul3A_54 = arith.mulf %mul3A_49, %mul3A_53 : vector<2048x768xf32>
    %get3A_55 = arith.constant 0 : index
    %get3A_56 = arith.constant 0 : index
    %get3A_57 = vector.load %arg6[%get3A_55, %get3A_56] : memref<1x768xf32, #tpu.memory_space<vmem>>, vector<1x768xf32>
    %add3A_58 = vector.broadcast %get3A_57 : vector<1x768xf32> to vector<2048x768xf32>
    %add3A_59 = arith.addf %mul3A_54, %add3A_58 : vector<2048x768xf32>
    %swap3A = arith.constant 0 : index
    %swap3A_60 = arith.constant 0 : index
    %swap3A_61 = vector.load %arg8[%swap3A, %swap3A_60] : memref<2048x768xf32, #tpu.memory_space<vmem>>, vector<2048x768xf32>
    tpu.vector_store %arg8[%swap3A, %swap3A_60], %add3A_59 {strides = array<i32>} : memref<2048x768xf32, #tpu.memory_space<vmem>>, vector<2048x768xf32>,
    return
  }
  func.func @transform_0(%arg0: i32) -> (i32, i32) {
    %c0_i32 = arith.constant 0 : i32
    %c0_i32_0 = arith.constant 0 : i32
    return %arg0, %c0_i32 : i32, i32
  }
  func.func @transform_1(%arg0: i32) -> (i32, i32) {
    %c0_i32 = arith.constant 0 : i32
    %c0_i32_0 = arith.constant 0 : i32
    %c0_i32_1 = arith.constant 0 : i32
    return %c0_i32, %c0_i32_0 : i32, i32
  }
  func.func @transform_2(%arg0: i32) -> (i32, i32) {
    %c0_i32 = arith.constant 0 : i32
    %c0_i32_0 = arith.constant 0 : i32
    %c0_i32_1 = arith.constant 0 : i32
    return %c0_i32, %c0_i32_0 : i32, i32
  }
  func.func @transform_3(%arg0: i32) -> (i32, i32) {
    %c0_i32 = arith.constant 0 : i32
    %c0_i32_0 = arith.constant 0 : i32
    %c0_i32_1 = arith.constant 0 : i32
    return %c0_i32, %c0_i32_0 : i32, i32
  }
  func.func @transform_4(%arg0: i32) -> (i32, i32) {
    %c0_i32 = arith.constant 0 : i32
    %c0_i32_0 = arith.constant 0 : i32
    %c0_i32_1 = arith.constant 0 : i32
    return %c0_i32, %c0_i32_0 : i32, i32
  }
  func.func @transform_5(%arg0: i32) -> (i32, i32) {
    %c0_i32 = arith.constant 0 : i32
    %c0_i32_0 = arith.constant 0 : i32
    %c0_i32_1 = arith.constant 0 : i32
    return %c0_i32, %c0_i32_0 : i32, i32
  }
  func.func @transform_7(%arg0: i32) -> (i32, i32) {
    %add3A = arith.constant 2 : i32
    %add3A_0 = arith.addi %add3A, %arg0 : i32
    %c0_i32 = arith.constant 0 : i32
    %c0_i32_1 = arith.constant 0 : i32
    return %add3A_0, %c0_i32 : i32, i32
  }
}

</mosaic_0001>

<sc_bundles>
// kernel: kernel.6.cloned.1.call-start
scs
__scs_entry_jumppad:
0x0: {  	(pc) =	sbr.rel $0x88, $3  }
0x1: {  	(tag) =	ssettag $0x0;
	lr =	simm.s32 $0x1  }
0x2: {  	[smem:$0x3F9A] =	sst lr;
	_ =	strace $0xD0000000  }
0x3: {  	_ = 	snop  }
0x4: {  	_ = 	snop  }
0x5: {  	_ = 	snop  }
0x6: {  	_ = 	snop  }
0x7: {  	_ = 	snop  }
__scs_overlays_trampoline_lowered:
0x8: {  	[smem:$0x3FA9] =	sst s0  }
0x9: {  	[smem:$0x3FAA] =	sst s1  }
0xa: {  	[smem:$0x3FAB] =	sst s2  }
0xb: {  	[smem:$0x3FAC] =	sst s3  }
0xc: {  	[smem:$0x3FAD] =	sst s4  }
0xd: {  	[smem:$0x3FAE] =	sst s5  }
0xe: {  	[smem:$0x3FAF] =	sst s6  }
0xf: {  	[smem:$0x3FB0] =	sst s7  }
0x10: {  	[smem:$0x3FB1] =	sst s8  }
0x11: {  	[smem:$0x3FB2] =	sst s9;
	s0 =	simm.s32 @!p0 $0x0  }
0x12: {  	s1 =	sld [smem:$0x3F98];
	s0 =	simm.s32 @p0 $0x1  }
0x13: {  	[smem:$0x3FB3] =	sst s0;
	s0 =	simm.s32 @!p1 $0x0  }
0x14: {  	s2 =	sld [smem:$0x3F97];
	s0 =	simm.s32 @p1 $0x1  }
0x15: {  	[smem:$0x3FB4] =	sst s0;
	s0 =	simm.s32 @!p2 $0x0  }
0x16: {  	s3 =	sld [smem:$0x3FDB];
	s0 =	simm.s32 @p2 $0x1  }
0x17: {  	s4 =	simm.s32 $0x1BF5;
	[smem:$0x3FB6] =	sst s0  }
0x18: {  	s0 =	sld [smem:$0x3F99];
	_ =	swait.ge [sflag:s4], $0x0  }
0x19: {  	s7 =	sld [smem:$0x3F9A]  }
0x1a: {  	s8 =	sadd.s32 $0xFFFFE003, lr  }
0x1b: {  	s9 =	sadd.s32 $0xFFFFFEF7, lr;
	s5 =	simm.s32 $0xFFFFFFFF;
	p2 =	slt.u32 s8, $0xFFFFF086  }
0x1c: {  	p1 =	slt.u32 s9, $0xF7A;
	s5 =	simm.s32 @!p2 $0x0  }
0x1d: {  	s5 =	simm.s32 @p1 $0x1;
	p0 =	seq.s32 s7, s2  }
0x1e: {  	s7 =	smul.u32 @!p0 $0xF7A, s2;
	p2 =	seq.s32 @!p0 s5, $0x0  }
0x1f: {  	s9 =	smul.u32 $0xF7A, s1;
	s8 =	simm.s32 @!p0 $0x1BF5;
	p2 =	por !p2, p0  }
0x20: {  	[sflag:s8] =	ssyncset.s32 @!p0 $0xFFFFF086;
	s6 =	sadd.s32 @!p0 s3, s7;
	s7 =	simm.s32 @!p0 $0x108  }
0x21: {  	s3 =	sadd.s32 s3, s9;
	s6 =	sadd.s32 @!p0 $0x88, s6;
	s7 =	simm.s32 @p2 $0x1082  }
0x22: {  	[simem:s7], [sflag:s8] =	dma.local @!p0 [hbm:s6], $0xF7A  }
0x23: {  	s9 =	sor.u32 $0xD0000000, s2;
	s6 =	simm.s32 $0x108;
	_ =	swait.ge @!p0 [sflag:s8], $0x0  }
0x24: {  	s3 =	sadd.s32 $0x88, s3;
	s6 =	simm.s32 @!p1 $0x1082;
	[sflag:s4] =	ssyncset.s32 $0xFFFFF086  }
0x25: {  	[simem:s6], [sflag:s4] =	dma.local [hbm:s3], $0xF7A  }
0x26: {  	[smem:$0x3F9A] =	sst s1;
	(tag) =	ssettag s2;
	_ =	strace s9  }
0x27: {  	s1 =	sld [smem:$0x3FAA]  }
0x28: {  	s2 =	sld [smem:$0x3FAB]  }
0x29: {  	s4 =	sld [smem:$0x3FAD]  }
0x2a: {  	p0 =	seq.s32 s5, $0x0;
	s5 =	sld [smem:$0x3FAE]  }
0x2b: {  	s6 =	sld [smem:$0x3FAF]  }
0x2c: {  	s7 =	sld [smem:$0x3FB0]  }
0x2d: {  	s3 =	simm.s32 $0x108;
	s8 =	sld [smem:$0x3FB1]  }
0x2e: {  	s3 =	simm.s32 @!p0 $0x1082;
	s9 =	sld [smem:$0x3FB2]  }
0x2f: {  	lr =	sadd.s32 s0, s3;
	s0 =	sld [smem:$0x3FA9]  }
0x30: {  	s3 =	sld [smem:$0x3FAC]  }
0x31: {  	[smem:$0x3FB5] =	sst s10  }
0x32: {  	s10 =	sld [smem:$0x3FB3];
	_ =	sdelay $0x3  }
0x33: {  	p0 =	seq.s32 s10, $0x1;
	s10 =	sld [smem:$0x3FB5];
	_ =	sdelay $0x3  }
0x34: {  	[smem:$0x3FB5] =	sst s10  }
0x35: {  	s10 =	sld [smem:$0x3FB4];
	_ =	sdelay $0x3  }
0x36: {  	p1 =	seq.s32 s10, $0x1;
	s10 =	sld [smem:$0x3FB5];
	_ =	sdelay $0x3  }
0x37: {  	[smem:$0x3FB5] =	sst s10  }
0x38: {  	s10 =	sld [smem:$0x3FB6]  }
0x39: {  	_ = 	snop;
	(pc) =	sbr.ind lr, $3  }
0x3a: {  	_ = 	snop  }
0x3b: {  	_ = 	snop  }
0x3c: {  	p2 =	seq.s32 s10, $0x1;
	s10 =	sld [smem:$0x3FB5]  }
0x3d: {  	_ =	shalt  }
0x3e: {  	_ =	shalt  }
0x3f: {  	_ =	shalt  }
0x40: {  	_ =	shalt  }
0x41: {  	_ =	shalt  }
0x42: {  	_ =	shalt  }
0x43: {  	_ =	shalt  }
0x44: {  	_ =	shalt  }
0x45: {  	_ =	shalt  }
0x46: {  	_ =	shalt  }
0x47: {  	_ =	shalt  }
0x48: {  	_ =	shalt  }
0x49: {  	_ =	shalt  }
0x4a: {  	_ =	shalt  }
0x4b: {  	_ =	shalt  }
0x4c: {  	_ =	shalt  }
0x4d: {  	_ =	shalt  }
0x4e: {  	_ =	shalt  }
0x4f: {  	_ =	shalt  }
0x50: {  	_ =	shalt  }
0x51: {  	_ =	shalt  }
0x52: {  	_ =	shalt  }
0x53: {  	_ =	shalt  }
0x54: {  	_ =	shalt  }
0x55: {  	_ =	shalt  }
0x56: {  	_ =	shalt  }
0x57: {  	_ =	shalt  }
0x58: {  	_ =	shalt  }
0x59: {  	_ =	shalt  }
0x5a: {  	_ =	shalt  }
0x5b: {  	_ =	shalt  }
0x5c: {  	_ =	shalt  }
0x5d: {  	_ =	shalt  }
0x5e: {  	_ =	shalt  }
0x5f: {  	_ =	shalt  }
0x60: {  	_ =	shalt  }
0x61: {  	_ =	shalt  }
0x62: {  	_ =	shalt  }
0x63: {  	_ =	shalt  }
0x64: {  	_ =	shalt  }
0x65: {  	_ =	shalt  }
0x66: {  	_ =	shalt  }
0x67: {  	_ =	shalt  }
0x68: {  	_ =	shalt  }
0x69: {  	_ =	shalt  }
0x6a: {  	_ =	shalt  }
0x6b: {  	_ =	shalt  }
0x6c: {  	_ =	shalt  }
0x6d: {  	_ =	shalt  }
0x6e: {  	_ =	shalt  }
0x6f: {  	_ =	shalt  }
0x70: {  	_ =	shalt  }
0x71: {  	_ =	shalt  }
0x72: {  	_ =	shalt  }
0x73: {  	_ =	shalt  }
0x74: {  	_ =	shalt  }
0x75: {  	_ =	shalt  }
0x76: {  	_ =	shalt  }
0x77: {  	_ =	shalt  }
0x78: {  	_ =	shalt  }
0x79: {  	_ =	shalt  }
0x7a: {  	_ =	shalt  }
0x7b: {  	_ =	shalt  }
0x7c: {  	_ =	shalt  }
0x7d: {  	_ =	shalt  }
0x7e: {  	_ =	shalt  }
0x7f: {  	_ =	shalt  }
0x80: {  	_ =	shalt  }
0x81: {  	_ =	shalt  }
0x82: {  	_ =	shalt  }
0x83: {  	_ =	shalt  }
0x84: {  	_ =	shalt  }
0x85: {  	_ =	shalt  }
0x86: {  	_ =	shalt  }
0x87: {  	_ =	shalt  }
.Lfunc_end0:
.L_simem_size_0:
called_computation_lowered:
.L_overlay_start_0:
0x88: {  	s2 =	sld [smem:$0x3FD9]  }
0x89: {  	s3 =	sld [smem:$0x3FFE];
	_ =	sdelay $0x1  }
0x8a: {  	s1 =	srdreg.scid  }
0x8b: {  	s0 =	sand.u32 $0x1, s1  }
0x8c: {  	s17 =	sshll.u32 s0, $0xA;
	s2 =	sadd.s32 s3, s2  }
0x8d: {  	s2 =	sadd.s32 s2, s17  }
0x8e: {  	[smem:$0x3FC1] =	sst s2  }
0x8f: {  	_ = 	snop  }
0x90: {  	s2 =	sld [smem:$0x3FC7]  }
0x91: {  	s18 =	sld [smem:$0x3FD0];
	(tm) =	ssettm $0x1  }
0x92: {  	s4 =	sld [smem:$0x3FFB];
	_ =	sdelay $0x3  }
0x93: {  	_ =	strace s4  }
0x94: {  	s4 =	sld [smem:$0x3FFC];
	_ =	sdelay $0x3  }
0x95: {  	_ =	strace s4  }
0x96: {  	s4 =	sld [smem:$0x3FFD];
	_ =	sdelay $0x3  }
0x97: {  	_ =	strace s4  }
0x98: {  	_ =	strace $0x8FFFFFFF  }
0x99: {  	s19 =	sld [smem:$0x3FDB];
	_ =	sdelay $0x1  }
0x9a: {  	s5 =	simm.s32 $_scs_section_size  }
0x9b: {  	s6 =	simm.s32 $_size__tile_overlayer_lowered;
	s7 =	simm.s32 $_tile_overlayer_lowered  }
0x9c: {  	s22 =	simm.s32 $0x1BFF;
	s21 =	sshll.u32 s7, $0x1;
	s4 =	sadd.s32 s5, s19  }
0x9d: {  	s8 =	simm.s32 $0x0;
	s20 =	sshll.u32 s6, $0x1;
	s6 =	sadd.s32 s21, s4  }
0x9e: {  	[timem:s8], [sflag:s22] =	dma.local [hbm:s6], s20  }
0x9f: {  	_ =	swait.ge [sflag:s22], s20  }
0xa0: {  	s5 =	ssub.s32 $0x0, s20;
	[sflag:s22] =	ssyncset.done $0x0  }
0xa1: {  	[sflag:s22] =	ssyncadd.s32 s5;
	_ =	sdelay $0x1  }
0xa2: {  	s23 =	simm.s32 $0x1B8B  }
0xa3: {  	_ =	swait.ge [sflag:s23], $0x1  }
0xa4: {  	[sflag:s23] =	ssyncset.done $0x0  }
0xa5: {  	s25 =	simm.s32 $0x1B8E;
	s24 =	sld [smem:$0x3FFE];
	[sflag:s23] =	ssyncadd.s32 $0xFFFFFFFF  }
0xa6: {  	s26 =	simm.s32 $execute0_lowered;
	[smem:$0x3FD2] =	sst s25  }
0xa7: {  	s6 =	sshll.u32 s26, $0x1;
	_ =	strace $0x80000046;
	[dreg:$0x1] =	wrdreg $0xFFFFFFFF  }
0xa8: {  	s28 =	simm.s32 $_size_execute0_lowered;
	s4 =	sadd.s32 s4, s6;
	[dreg:$0x0] =	wrdreg $0x0  }
0xa9: {  	s6 =	sshll.u32 s28, $0x1;
	[dreg:$0x2] =	wrdreg s4  }
0xaa: {  	[dreg:$0x3] =	wrdreg s6  }
0xab: {  	[dreg:$0x4] =	wrdreg $0xC0  }
0xac: {  	_ =	task [dreg:s8], $0x5FFFF  }
0xad: {  	[dreg:$0x1] =	wrdreg $0xFFFFFFFF  }
0xae: {  	[dreg:$0x0] =	wrdreg $0x60  }
0xaf: {  	[dreg:$0x2] =	wrdreg s2  }
0xb0: {  	[dreg:$0x3] =	wrdreg s24  }
0xb1: {  	[dreg:$0x4] =	wrdreg s18  }
0xb2: {  	[dreg:$0x5] =	wrdreg $0x9  }
0xb3: {  	_ =	task.clear_ibuf [dreg:s8], $0x6FFFF;
	_ =	strace $0x90000046  }
0xb4: {  	s29 =	simm.s32 $0x9;
	_ =	strace $0x80000048  }
0xb5: {  	_ =	swait.ge [sflag:s29], $0x1  }
0xb6: {  	[sflag:s29] =	ssyncadd.s32 $0xFFFFFFFF  }
0xb7: {  	_ =	strace $0x90000048  }
0xb8: {  	_ =	sfence  }
0xb9: {  	s30 =	sld [smem:$0x0];
	_ =	sdelay $0x2  }
0xba: {  	s31 =	sshll.u32 s1, $0xD;
	s1 =	sshrl.u32 s1, $0x2  }
0xbb: {  	s3 =	sand.u32 $0x4000, s31;
	s1 =	sadd.s32 s1, s30  }
0xbc: {  	s0 =	sor.u32 s3, s0;
	s1 =	sshll.u32 s1, $0x11  }
0xbd: {  	s0 =	sor.u32 s1, s0  }
0xbe: {  	s0 =	sadd.s32 $0x8F2B, s0  }
0xbf: {  	[sflag:s0] =	ssyncadd.remote.s32 $0x1  }
0xc0: {  	_ =	sfence.sel $0xFFFF  }
0xc1: {  	[dreg:$0x0] =	wrdreg $0xFFFFFFFF;
	(pc) =	sbr.abs _section_cstart, $3  }
0xc2: {  	[dreg:$0x1] =	wrdreg $0xFFFFFFFF  }
0xc3: {  	_ =	task.clear_ibuf [dreg:s8], $0x2FFFF;
	_ =	strace $0x9FFFFFFF  }
0xc4: {  	(tm) =	ssettm $0x7FFFFFFF  }
0xc5: {  	_ =	shalt  }
tec
execute0_lowered:
.L_overlay_start_1:
0x0: {  	(tag) =	ssettag $0x1  }
0x1: {  	s2 =	srdreg.scid  }
0x2: {  	s1 =	rddreg [dreg:$0x0];
	s0 =	stileid.u32;
	s2 =	sand.u32 $0x1, s2  }
0x3: {  	s4 =	rddreg [dreg:$0x1];
	s3 =	sshll.u32 s0, $0x5;
	s5 =	sshll.u32 s2, $0x4  }
0x4: {  	s6 =	rddreg [dreg:$0x2];
	s5 =	sor.u32 s5, s3;
	s3 =	simm.s32 $0x0  }
0x5: {  	s21 =	simm.s32 $0x880;
	[smem:$0x7FF] =	sst s3  }
0x6: {  	s22 =	simm.s32 $0x1080;
	_ =	strace $0x80000047;
	[dreg:$0x7] =	wrdreg s21  }
0x7: {  	s23 =	simm.s32 $0x1880;
	[dreg:$0x8] =	wrdreg s22  }
0x8: {  	s24 =	simm.s32 $0x2080;
	[dreg:$0x9] =	wrdreg s23  }
0x9: {  	s25 =	simm.s32 $0x2880;
	[dreg:$0xa] =	wrdreg s24  }
0xa: {  	s26 =	simm.s32 $0x3080;
	[dreg:$0xb] =	wrdreg s25  }
0xb: {  	s0 =	simm.s32 $0x3880;
	[dreg:$0xc] =	wrdreg s26  }
0xc: {  	s8 =	simm.s32 $0x5880;
	[dreg:$0xd] =	wrdreg s0  }
0xd: {  	s9 =	simm.s32 $0x6080;
	[dreg:$0x11] =	wrdreg s8  }
0xe: {  	s10 =	simm.s32 $0x6880;
	[dreg:$0x12] =	wrdreg s9  }
0xf: {  	s11 =	simm.s32 $0x7080;
	s12 =	simm.s32 $0x7880;
	[dreg:$0x13] =	wrdreg s10  }
0x10: {  	s13 =	simm.s32 $0x8080;
	s14 =	simm.s32 $0x8880;
	[dreg:$0x14] =	wrdreg s11  }
0x11: {  	s15 =	simm.s32 $0x9080;
	s16 =	simm.s32 $0x9880;
	[dreg:$0x15] =	wrdreg s12  }
0x12: {  	s17 =	simm.s32 $0xA080;
	s28 =	simm.s32 $0x17880;
	[dreg:$0x16] =	wrdreg s13  }
0x13: {  	s29 =	simm.s32 $0x1;
	s30 =	simm.s32 $0x2;
	[dreg:$0x17] =	wrdreg s14  }
0x14: {  	s31 =	simm.s32 $0x3;
	s2 =	ssub.s32 $0x2, s2;
	[dreg:$0x18] =	wrdreg s15  }
0x15: {  	s7 =	smul.u32 $0x1800, s5;
	s4 =	sadd.s32 s5, s4;
	[dreg:$0x19] =	wrdreg s16  }
0x16: {  	s5 =	smul.u32 $0x300, s5;
	s4 =	sadd.s32 $0x1A00, s4;
	[dreg:$0x1a] =	wrdreg s17  }
0x17: {  	s21 =	simm.s32 $0xB880;
	s22 =	simm.s32 $0xC880;
	s23 =	simm.s32 $0xD080  }
0x18: {  	s24 =	simm.s32 $0xD880;
	s25 =	simm.s32 $0xE080;
	s8 =	simm.s32 $0x80  }
0x19: {  	s26 =	simm.s32 $0xE880;
	s9 =	simm.s32 $0xC080;
	[dreg:$0x4] =	wrdreg s4  }
0x1a: {  	s11 =	simm.s32 $0xF880;
	s12 =	simm.s32 $0x10080;
	[dreg:$0x1d] =	wrdreg s21  }
0x1b: {  	s13 =	simm.s32 $0x10880;
	s14 =	simm.s32 $0x11080;
	[dreg:$0x1e] =	wrdreg s22  }
0x1c: {  	s15 =	simm.s32 $0x11880;
	s16 =	simm.s32 $0x12080;
	[dreg:$0x1f] =	wrdreg s23  }
0x1d: {  	s17 =	simm.s32 $0x12880;
	s7 =	sshrl.u32 s7, $0x3;
	[smem:$0x7FB] =	sst s24  }
0x1e: {  	s18 =	sadd.s32 s6, s5;
	s5 =	simm.s32 $0x4080;
	[smem:$0x7FC] =	sst s25  }
0x1f: {  	s4 =	sadd.s32 $0x100, s1;
	[smem:$0x7FD] =	sst s26;
	s21 =	simm.s32 $0x14880  }
0x20: {  	s22 =	simm.s32 $0x15080;
	s23 =	simm.s32 $0x15880;
	s24 =	simm.s32 $0x16080  }
0x21: {  	s25 =	simm.s32 $0x16880;
	s26 =	simm.s32 $0x17080;
	[dreg:$0x5] =	wrdreg s18  }
0x22: {  	s19 =	sadd.s32 s6, s7;
	[dreg:$0xe] =	wrdreg s5;
	s6 =	simm.s32 $0x4880  }
0x23: {  	s7 =	simm.s32 $0x5080;
	s18 =	simm.s32 $0xA880;
	[dreg:$0xf] =	wrdreg s6  }
0x24: {  	s5 =	sadd.s32 $0x200, s1;
	s20 =	sadd.s32 $0x1800, s19;
	[dreg:$0x10] =	wrdreg s7  }
0x25: {  	s19 =	sshrl.u32 s2, $0x1;
	[dreg:$0x1b] =	wrdreg s18;
	s7 =	simm.s32 $0x5  }
0x26: {  	v2 =	vlaneseq.u32;
	s18 =	simm.s32 $0x13080;
	[dreg:$0x6] =	wrdreg s20;
	s20 =	simm.s32 $0xB080  }
0x27: {  	vm0 =	vmmov $0xffff;
	v1 =	vshrl.u32 v2, $0x3;
	s2 =	ssub.s32 s2, s19;
	s19 =	simm.s32 $0x13880;
	[dreg:$0x1c] =	wrdreg s20  }
0x28: {  	v0 =	vand.u32 $0x7, v2;
	v2 =	vor.u32 $0x8, v2;
	v1 =	vmul.u32 $0x8, v1;
	s6 =	smax.u32 s2, $0x1;
	s20 =	simm.s32 $0x14080;
	s2 =	simm.s32 $0x4  }
.LBB2_1:
0x29: {  	s0 =	rddreg [dreg:$0x4]  }
0x2a: {  	[tilespmem:s3], [sflag:$0x5] =	stream.linear.gather [hbm4b:s0+s3], $0x80, $0x38;
	[tilespmem:$0x18080] =	vst v63  }
0x2b: {  	_ =	swait.ge [sflag:s7], $0x80  }
0x2c: {  	[sflag:s7] =	ssyncset.done $0x0  }
0x2d: {  	[sflag:s7] =	ssyncadd.s32 $0xFFFFFF80  }
0x2e: {  	v3 =	vld [tilespmem:$0x0];
	_ =	sdelay $0x4  }
0x2f: {  	v4 =	vshrl.u32 v3, $0x3  }
0x30: {  	v4 =	vmul.u32 $0x30, v4  }
0x31: {  	v3 =	vand.u32 $0x7, v3  }
0x32: {  	v3 =	vor.u32 v3, v4  }
0x33: {  	v4 =	vperm.xlane v3, v0;
	_ =	sdelay $0x1  }
0x34: {  	v4 =	vadd.s32 v1, v4;
	_ =	sdelay $0x3  }
0x35: {  	v3 =	vperm.xlane v3, v2  }
0x36: {  	[tilespmem:s8], [sflag:$0x1] =	stream.indirect_vreg.gather [hbm4b:s1+s3], $0x80, v4, vm0, $0xb8;
	[tilespmem:$0x18080] =	vst v63  }
0x37: {  	s0 =	rddreg [dreg:$0x7];
	v3 =	vadd.s32 v1, v3  }
0x38: {  	[tilespmem:s0], [sflag:$0x1] =	stream.indirect_vreg.gather [hbm4b:s4+s3], $0x80, v4, vm0, $0xb8;
	[tilespmem:$0x18080] =	vst v63  }
0x39: {  	s10 =	rddreg [dreg:$0x8]  }
0x3a: {  	[tilespmem:s10], [sflag:$0x1] =	stream.indirect_vreg.gather [hbm4b:s5+s3], $0x80, v4, vm0, $0xb8;
	[tilespmem:$0x18080] =	vst v63  }
0x3b: {  	s0 =	rddreg [dreg:$0x9]  }
0x3c: {  	[tilespmem:s0], [sflag:$0x1] =	stream.indirect_vreg.gather [hbm4b:s1+s3], $0x80, v3, vm0, $0xb8;
	[tilespmem:$0x18080] =	vst v63  }
0x3d: {  	s10 =	rddreg [dreg:$0xa]  }
0x3e: {  	[tilespmem:s10], [sflag:$0x1] =	stream.indirect_vreg.gather [hbm4b:s4+s3], $0x80, v3, vm0, $0xb8;
	[tilespmem:$0x18080] =	vst v63  }
0x3f: {  	s0 =	rddreg [dreg:$0xb]  }
0x40: {  	[tilespmem:s0], [sflag:$0x1] =	stream.indirect_vreg.gather [hbm4b:s5+s3], $0x80, v3, vm0, $0xb8;
	[tilespmem:$0x18080] =	vst v63  }
0x41: {  	v3 =	vld [tilespmem:$0x10];
	_ =	sdelay $0x4  }
0x42: {  	v57 =	vshrl.u32 v3, $0x3  }
0x43: {  	v4 =	vmul.u32 $0x30, v57  }
0x44: {  	v3 =	vand.u32 $0x7, v3  }
0x45: {  	v3 =	vor.u32 v3, v4  }
0x46: {  	v4 =	vperm.xlane v3, v0;
	_ =	sdelay $0x1  }
0x47: {  	v4 =	vadd.s32 v1, v4;
	_ =	sdelay $0x3  }
0x48: {  	s0 =	rddreg [dreg:$0xc];
	v3 =	vperm.xlane v3, v2  }
0x49: {  	[tilespmem:s0], [sflag:$0x1] =	stream.indirect_vreg.gather [hbm4b:s1+s3], $0x80, v4, vm0, $0xb8;
	[tilespmem:$0x18080] =	vst v63  }
0x4a: {  	s10 =	rddreg [dreg:$0xd];
	v3 =	vadd.s32 v1, v3  }
0x4b: {  	[tilespmem:s10], [sflag:$0x1] =	stream.indirect_vreg.gather [hbm4b:s4+s3], $0x80, v4, vm0, $0xb8;
	[tilespmem:$0x18080] =	vst v63  }
0x4c: {  	s0 =	rddreg [dreg:$0xe]  }
0x4d: {  	[tilespmem:s0], [sflag:$0x1] =	stream.indirect_vreg.gather [hbm4b:s5+s3], $0x80, v4, vm0, $0xb8;
	[tilespmem:$0x18080] =	vst v63  }
0x4e: {  	s10 =	rddreg [dreg:$0xf]  }
0x4f: {  	[tilespmem:s10], [sflag:$0x1] =	stream.indirect_vreg.gather [hbm4b:s1+s3], $0x80, v3, vm0, $0xb8;
	[tilespmem:$0x18080] =	vst v63  }
0x50: {  	s0 =	rddreg [dreg:$0x10]  }
0x51: {  	[tilespmem:s0], [sflag:$0x1] =	stream.indirect_vreg.gather [hbm4b:s4+s3], $0x80, v3, vm0, $0xb8;
	[tilespmem:$0x18080] =	vst v63  }
0x52: {  	s10 =	rddreg [dreg:$0x11]  }
0x53: {  	[tilespmem:s10], [sflag:$0x1] =	stream.indirect_vreg.gather [hbm4b:s5+s3], $0x80, v3, vm0, $0xb8;
	[tilespmem:$0x18080] =	vst v63  }
0x54: {  	v3 =	vld [tilespmem:$0x20];
	_ =	sdelay $0x4  }
0x55: {  	v58 =	vshrl.u32 v3, $0x3  }
0x56: {  	v4 =	vmul.u32 $0x30, v58  }
0x57: {  	v3 =	vand.u32 $0x7, v3  }
0x58: {  	v3 =	vor.u32 v3, v4  }
0x59: {  	v4 =	vperm.xlane v3, v0;
	_ =	sdelay $0x1  }
0x5a: {  	v4 =	vadd.s32 v1, v4;
	_ =	sdelay $0x3  }
0x5b: {  	s0 =	rddreg [dreg:$0x12];
	v3 =	vperm.xlane v3, v2  }
0x5c: {  	[tilespmem:s0], [sflag:$0x1] =	stream.indirect_vreg.gather [hbm4b:s1+s3], $0x80, v4, vm0, $0xb8;
	[tilespmem:$0x18080] =	vst v63  }
0x5d: {  	s10 =	rddreg [dreg:$0x13];
	v3 =	vadd.s32 v1, v3  }
0x5e: {  	[tilespmem:s10], [sflag:$0x1] =	stream.indirect_vreg.gather [hbm4b:s4+s3], $0x80, v4, vm0, $0xb8;
	[tilespmem:$0x18080] =	vst v63  }
0x5f: {  	s0 =	rddreg [dreg:$0x14]  }
0x60: {  	[tilespmem:s0], [sflag:$0x1] =	stream.indirect_vreg.gather [hbm4b:s5+s3], $0x80, v4, vm0, $0xb8;
	[tilespmem:$0x18080] =	vst v63  }
0x61: {  	s10 =	rddreg [dreg:$0x15]  }
0x62: {  	[tilespmem:s10], [sflag:$0x1] =	stream.indirect_vreg.gather [hbm4b:s1+s3], $0x80, v3, vm0, $0xb8;
	[tilespmem:$0x18080] =	vst v63  }
0x63: {  	s0 =	rddreg [dreg:$0x16]  }
0x64: {  	[tilespmem:s0], [sflag:$0x1] =	stream.indirect_vreg.gather [hbm4b:s4+s3], $0x80, v3, vm0, $0xb8;
	[tilespmem:$0x18080] =	vst v63  }
0x65: {  	s10 =	rddreg [dreg:$0x17]  }
0x66: {  	[tilespmem:s10], [sflag:$0x1] =	stream.indirect_vreg.gather [hbm4b:s5+s3], $0x80, v3, vm0, $0xb8;
	[tilespmem:$0x18080] =	vst v63  }
0x67: {  	v3 =	vld [tilespmem:$0x30];
	_ =	sdelay $0x4  }
0x68: {  	v59 =	vshrl.u32 v3, $0x3  }
0x69: {  	v4 =	vmul.u32 $0x30, v59  }
0x6a: {  	v3 =	vand.u32 $0x7, v3  }
0x6b: {  	v3 =	vor.u32 v3, v4  }
0x6c: {  	v4 =	vperm.xlane v3, v0;
	_ =	sdelay $0x1  }
0x6d: {  	v4 =	vadd.s32 v1, v4;
	_ =	sdelay $0x3  }
0x6e: {  	s0 =	rddreg [dreg:$0x18];
	v3 =	vperm.xlane v3, v2  }
0x6f: {  	[tilespmem:s0], [sflag:$0x1] =	stream.indirect_vreg.gather [hbm4b:s1+s3], $0x80, v4, vm0, $0xb8;
	[tilespmem:$0x18080] =	vst v63  }
0x70: {  	s10 =	rddreg [dreg:$0x19];
	v3 =	vadd.s32 v1, v3  }
0x71: {  	[tilespmem:s10], [sflag:$0x1] =	stream.indirect_vreg.gather [hbm4b:s4+s3], $0x80, v4, vm0, $0xb8;
	[tilespmem:$0x18080] =	vst v63  }
0x72: {  	s0 =	rddreg [dreg:$0x1a]  }
0x73: {  	[tilespmem:s0], [sflag:$0x1] =	stream.indirect_vreg.gather [hbm4b:s5+s3], $0x80, v4, vm0, $0xb8;
	[tilespmem:$0x18080] =	vst v63  }
0x74: {  	s10 =	rddreg [dreg:$0x1b]  }
0x75: {  	[tilespmem:s10], [sflag:$0x1] =	stream.indirect_vreg.gather [hbm4b:s1+s3], $0x80, v3, vm0, $0xb8;
	[tilespmem:$0x18080] =	vst v63  }
0x76: {  	s0 =	rddreg [dreg:$0x1c]  }
0x77: {  	[tilespmem:s0], [sflag:$0x1] =	stream.indirect_vreg.gather [hbm4b:s4+s3], $0x80, v3, vm0, $0xb8;
	[tilespmem:$0x18080] =	vst v63  }
0x78: {  	s10 =	rddreg [dreg:$0x1d]  }
0x79: {  	[tilespmem:s10], [sflag:$0x1] =	stream.indirect_vreg.gather [hbm4b:s5+s3], $0x80, v3, vm0, $0xb8;
	[tilespmem:$0x18080] =	vst v63  }
0x7a: {  	v3 =	vld [tilespmem:$0x40];
	_ =	sdelay $0x4  }
0x7b: {  	v60 =	vshrl.u32 v3, $0x3  }
0x7c: {  	v4 =	vmul.u32 $0x30, v60  }
0x7d: {  	v3 =	vand.u32 $0x7, v3  }
0x7e: {  	v3 =	vor.u32 v3, v4  }
0x7f: {  	v4 =	vperm.xlane v3, v0;
	_ =	sdelay $0x1  }
0x80: {  	v4 =	vadd.s32 v1, v4;
	_ =	sdelay $0x3  }
0x81: {  	s0 =	rddreg [dreg:$0x1e];
	v3 =	vperm.xlane v3, v2  }
0x82: {  	[tilespmem:s9], [sflag:$0x2] =	stream.indirect_vreg.gather [hbm4b:s1+s3], $0x80, v4, vm0, $0xb8;
	[tilespmem:$0x18080] =	vst v63  }
0x83: {  	s10 =	rddreg [dreg:$0x1f];
	v3 =	vadd.s32 v1, v3  }
0x84: {  	[tilespmem:s0], [sflag:$0x2] =	stream.indirect_vreg.gather [hbm4b:s4+s3], $0x80, v4, vm0, $0xb8;
	[tilespmem:$0x18080] =	vst v63  }
0x85: {  	s0 =	sld [smem:$0x7FB]  }
0x86: {  	[tilespmem:s10], [sflag:$0x2] =	stream.indirect_vreg.gather [hbm4b:s5+s3], $0x80, v4, vm0, $0xb8;
	[tilespmem:$0x18080] =	vst v63  }
0x87: {  	s10 =	sld [smem:$0x7FC]  }
0x88: {  	[tilespmem:s0], [sflag:$0x2] =	stream.indirect_vreg.gather [hbm4b:s1+s3], $0x80, v3, vm0, $0xb8;
	[tilespmem:$0x18080] =	vst v63  }
0x89: {  	s0 =	sld [smem:$0x7FD]  }
0x8a: {  	[tilespmem:s10], [sflag:$0x2] =	stream.indirect_vreg.gather [hbm4b:s4+s3], $0x80, v3, vm0, $0xb8;
	[tilespmem:$0x18080] =	vst v63  }
0x8b: {  	_ = 	snop  }
0x8c: {  	[tilespmem:s0], [sflag:$0x2] =	stream.indirect_vreg.gather [hbm4b:s5+s3], $0x80, v3, vm0, $0xb8;
	[tilespmem:$0x18080] =	vst v63  }
0x8d: {  	v3 =	vld [tilespmem:$0x50];
	_ =	sdelay $0x4  }
0x8e: {  	v61 =	vshrl.u32 v3, $0x3  }
0x8f: {  	v4 =	vmul.u32 $0x30, v61  }
0x90: {  	v3 =	vand.u32 $0x7, v3  }
0x91: {  	v3 =	vor.u32 v3, v4  }
0x92: {  	v4 =	vperm.xlane v3, v0;
	_ =	sdelay $0x1  }
0x93: {  	v4 =	vadd.s32 v1, v4;
	_ =	sdelay $0x3  }
0x94: {  	s10 =	simm.s32 $0xF080;
	v3 =	vperm.xlane v3, v2  }
0x95: {  	[tilespmem:s10], [sflag:$0x2] =	stream.indirect_vreg.gather [hbm4b:s1+s3], $0x80, v4, vm0, $0xb8;
	[tilespmem:$0x18080] =	vst v63  }
0x96: {  	v3 =	vadd.s32 v1, v3  }
0x97: {  	[tilespmem:s11], [sflag:$0x2] =	stream.indirect_vreg.gather [hbm4b:s4+s3], $0x80, v4, vm0, $0xb8;
	[tilespmem:$0x18080] =	vst v63  }
0x98: {  	_ = 	snop  }
0x99: {  	[tilespmem:s12], [sflag:$0x2] =	stream.indirect_vreg.gather [hbm4b:s5+s3], $0x80, v4, vm0, $0xb8;
	[tilespmem:$0x18080] =	vst v63  }
0x9a: {  	_ = 	snop  }
0x9b: {  	[tilespmem:s13], [sflag:$0x2] =	stream.indirect_vreg.gather [hbm4b:s1+s3], $0x80, v3, vm0, $0xb8;
	[tilespmem:$0x18080] =	vst v63  }
0x9c: {  	_ = 	snop  }
0x9d: {  	[tilespmem:s14], [sflag:$0x2] =	stream.indirect_vreg.gather [hbm4b:s4+s3], $0x80, v3, vm0, $0xb8;
	[tilespmem:$0x18080] =	vst v63  }
0x9e: {  	_ = 	snop  }
0x9f: {  	[tilespmem:s15], [sflag:$0x2] =	stream.indirect_vreg.gather [hbm4b:s5+s3], $0x80, v3, vm0, $0xb8;
	[tilespmem:$0x18080] =	vst v63  }
0xa0: {  	v3 =	vld [tilespmem:$0x60];
	_ =	sdelay $0x4  }
0xa1: {  	v62 =	vshrl.u32 v3, $0x3  }
0xa2: {  	v4 =	vmul.u32 $0x30, v62  }
0xa3: {  	v3 =	vand.u32 $0x7, v3  }
0xa4: {  	v3 =	vor.u32 v3, v4  }
0xa5: {  	v4 =	vperm.xlane v3, v0;
	_ =	sdelay $0x1  }
0xa6: {  	v4 =	vadd.s32 v1, v4;
	_ =	sdelay $0x3  }
0xa7: {  	v3 =	vperm.xlane v3, v2  }
0xa8: {  	[tilespmem:s16], [sflag:$0x2] =	stream.indirect_vreg.gather [hbm4b:s1+s3], $0x80, v4, vm0, $0xb8;
	[tilespmem:$0x18080] =	vst v63  }
0xa9: {  	v3 =	vadd.s32 v1, v3  }
0xaa: {  	[tilespmem:s17], [sflag:$0x2] =	stream.indirect_vreg.gather [hbm4b:s4+s3], $0x80, v4, vm0, $0xb8;
	[tilespmem:$0x18080] =	vst v63  }
0xab: {  	_ = 	snop  }
0xac: {  	[tilespmem:s18], [sflag:$0x2] =	stream.indirect_vreg.gather [hbm4b:s5+s3], $0x80, v4, vm0, $0xb8;
	[tilespmem:$0x18080] =	vst v63  }
0xad: {  	_ = 	snop  }
0xae: {  	[tilespmem:s19], [sflag:$0x2] =	stream.indirect_vreg.gather [hbm4b:s1+s3], $0x80, v3, vm0, $0xb8;
	[tilespmem:$0x18080] =	vst v63  }
0xaf: {  	_ = 	snop  }
0xb0: {  	[tilespmem:s20], [sflag:$0x2] =	stream.indirect_vreg.gather [hbm4b:s4+s3], $0x80, v3, vm0, $0xb8;
	[tilespmem:$0x18080] =	vst v63  }
0xb1: {  	_ = 	snop  }
0xb2: {  	[tilespmem:s21], [sflag:$0x2] =	stream.indirect_vreg.gather [hbm4b:s5+s3], $0x80, v3, vm0, $0xb8;
	[tilespmem:$0x18080] =	vst v63  }
0xb3: {  	v3 =	vld [tilespmem:$0x70];
	_ =	sdelay $0x4  }
0xb4: {  	v63 =	vshrl.u32 v3, $0x3  }
0xb5: {  	v4 =	vmul.u32 $0x30, v63  }
0xb6: {  	v3 =	vand.u32 $0x7, v3  }
0xb7: {  	v3 =	vor.u32 v3, v4  }
0xb8: {  	v4 =	vperm.xlane v3, v0;
	_ =	sdelay $0x1  }
0xb9: {  	v4 =	vadd.s32 v1, v4;
	_ =	sdelay $0x3  }
0xba: {  	v3 =	vperm.xlane v3, v2  }
0xbb: {  	[tilespmem:s22], [sflag:$0x2] =	stream.indirect_vreg.gather [hbm4b:s1+s3], $0x80, v4, vm0, $0xb8;
	[tilespmem:$0x18080] =	vst v63  }
0xbc: {  	v3 =	vadd.s32 v1, v3  }
0xbd: {  	[tilespmem:s23], [sflag:$0x2] =	stream.indirect_vreg.gather [hbm4b:s4+s3], $0x80, v4, vm0, $0xb8;
	[tilespmem:$0x18080] =	vst v63  }
0xbe: {  	_ = 	snop  }
0xbf: {  	[tilespmem:s24], [sflag:$0x2] =	stream.indirect_vreg.gather [hbm4b:s5+s3], $0x80, v4, vm0, $0xb8;
	[tilespmem:$0x18080] =	vst v63  }
0xc0: {  	_ = 	snop  }
0xc1: {  	[tilespmem:s25], [sflag:$0x2] =	stream.indirect_vreg.gather [hbm4b:s1+s3], $0x80, v3, vm0, $0xb8;
	[tilespmem:$0x18080] =	vst v63  }
0xc2: {  	_ = 	snop  }
0xc3: {  	[tilespmem:s26], [sflag:$0x2] =	stream.indirect_vreg.gather [hbm4b:s4+s3], $0x80, v3, vm0, $0xb8;
	[tilespmem:$0x18080] =	vst v63  }
0xc4: {  	_ = 	snop  }
0xc5: {  	[tilespmem:s28], [sflag:$0x2] =	stream.indirect_vreg.gather [hbm4b:s5+s3], $0x80, v3, vm0, $0xb8;
	[tilespmem:$0x18080] =	vst v63  }
0xc6: {  	_ =	swait.ge [sflag:s29], $0xC000  }
0xc7: {  	[sflag:s29] =	ssyncset.done $0x0  }
0xc8: {  	s10 =	rddreg [dreg:$0x5];
	[sflag:s29] =	ssyncadd.s32 $0xFFFF4000  }
0xc9: {  	[hbm4b:s10+s3] =	stream.linear.scatter [tilespmem:s8], [sflag:$0x3], $0xC000, $0x38;
	[tilespmem:$0x18080] =	vst v63  }
0xca: {  	_ =	swait.ge [sflag:s30], $0xC000  }
0xcb: {  	[sflag:s30] =	ssyncset.done $0x0  }
0xcc: {  	s10 =	rddreg [dreg:$0x6];
	[sflag:s30] =	ssyncadd.s32 $0xFFFF4000  }
0xcd: {  	[hbm4b:s10+s3] =	stream.linear.scatter [tilespmem:s9], [sflag:$0x4], $0xC000, $0x38;
	[tilespmem:$0x18080] =	vst v63  }
0xce: {  	p0 =	sne.s32 s6, $0x1;
	_ =	swait.ge [sflag:s31], $0xC000  }
.Ltmp0:
0xcf: {  	[sflag:s31] =	ssyncset.done $0x0;
	(pc) =	sbr.rel @p0 .LBB2_1-.Ltmp0, $4  }
0xd0: {  	[sflag:s31] =	ssyncadd.s32 $0xFFFF4000  }
0xd1: {  	_ =	swait.ge [sflag:s2], $0xC000  }
0xd2: {  	[sflag:s2] =	ssyncset.done $0x0  }
0xd3: {  	s6 =	sadd.s32 $0xFFFFFFFF, s6;
	[sflag:s2] =	ssyncadd.s32 $0xFFFF4000  }
0xd4: {  	_ =	sfence.sel $0x180000  }
0xd5: {  	[bflag:$0x0] =	sbarrier.arrive $0xFFFF  }
0xd6: {  	_ =	strace $0x90000047  }
0xd7: {  	s0 =	stileid.u32;
	[bflag:$0x2] =	sbarrier.arrive $0xFFFF  }
0xd8: {  	p0 =	sne.s32 s0, $0x0;
	s0 =	rddreg [dreg:$0x3]  }
0xd9: {  	s0 =	sadd.s32 @!p0 $0x100000, s0  }
0xda: {  	[sflag:s0] =	ssyncadd.tile.s32 @!p0 $0x1;
	_ =	shalt  }
.Lfunc_end2:
_tile_overlayer_lowered:
.L_overlay_start_2:
0xdb: {  	(tag) =	ssettag $0x2  }
0xdc: {  	s0 =	rddreg [dreg:$0x0];
	s2 =	stileid.u32  }
0xdd: {  	s1 =	rddreg [dreg:$0x1];
	p0 =	sne.s32 s2, $0x0  }
0xde: {  	s3 =	rddreg [dreg:$0x2];
	[bflag:$0x3] =	sbarrier.arrive $0xFFFF;
	s2 =	simm.s32 @!p0 $0x1C05  }
0xdf: {  	[timem:s3], [sflag:s2] =	dma.local @!p0 [hbm:s0], s1  }
0xe0: {  	s0 =	simm.s32 @!p0 $0x5  }
0xe1: {  	_ =	swait.ge @!p0 [sflag:s0], s1  }
0xe2: {  	s1 =	ssub.s32 @!p0 $0x0, s1;
	[sflag:s0] =	ssyncset.done @!p0 $0x0  }
0xe3: {  	[sflag:s0] =	ssyncadd.s32 @!p0 s1  }
0xe4: {  	[bflag:$0x3] =	sbarrier.arrive $0xFFFF  }
0xe5: {  	_ =	shalt  }

// kernel: kernel.9.cloned.1.call-start
scs
__scs_entry_jumppad:
0x0: {  	(pc) =	sbr.rel $0x88, $3  }
0x1: {  	(tag) =	ssettag $0x0;
	lr =	simm.s32 $0x1  }
0x2: {  	[smem:$0x3F9A] =	sst lr;
	_ =	strace $0xD0000000  }
0x3: {  	_ = 	snop  }
0x4: {  	_ = 	snop  }
0x5: {  	_ = 	snop  }
0x6: {  	_ = 	snop  }
0x7: {  	_ = 	snop  }
__scs_overlays_trampoline_lowered:
0x8: {  	[smem:$0x3FA9] =	sst s0  }
0x9: {  	[smem:$0x3FAA] =	sst s1  }
0xa: {  	[smem:$0x3FAB] =	sst s2  }
0xb: {  	[smem:$0x3FAC] =	sst s3  }
0xc: {  	[smem:$0x3FAD] =	sst s4  }
0xd: {  	[smem:$0x3FAE] =	sst s5  }
0xe: {  	[smem:$0x3FAF] =	sst s6  }
0xf: {  	[smem:$0x3FB0] =	sst s7  }
0x10: {  	[smem:$0x3FB1] =	sst s8  }
0x11: {  	[smem:$0x3FB2] =	sst s9;
	s0 =	simm.s32 @!p0 $0x0  }
0x12: {  	s1 =	sld [smem:$0x3F98];
	s0 =	simm.s32 @p0 $0x1  }
0x13: {  	[smem:$0x3FB3] =	sst s0;
	s0 =	simm.s32 @!p1 $0x0  }
0x14: {  	s2 =	sld [smem:$0x3F97];
	s0 =	simm.s32 @p1 $0x1  }
0x15: {  	[smem:$0x3FB4] =	sst s0;
	s0 =	simm.s32 @!p2 $0x0  }
0x16: {  	s3 =	sld [smem:$0x3FDB];
	s0 =	simm.s32 @p2 $0x1  }
0x17: {  	s4 =	simm.s32 $0x1BF5;
	[smem:$0x3FB6] =	sst s0  }
0x18: {  	s0 =	sld [smem:$0x3F99];
	_ =	swait.ge [sflag:s4], $0x0  }
0x19: {  	s7 =	sld [smem:$0x3F9A]  }
0x1a: {  	s8 =	sadd.s32 $0xFFFFE003, lr  }
0x1b: {  	s9 =	sadd.s32 $0xFFFFFEF7, lr;
	s5 =	simm.s32 $0xFFFFFFFF;
	p2 =	slt.u32 s8, $0xFFFFF086  }
0x1c: {  	p1 =	slt.u32 s9, $0xF7A;
	s5 =	simm.s32 @!p2 $0x0  }
0x1d: {  	s5 =	simm.s32 @p1 $0x1;
	p0 =	seq.s32 s7, s2  }
0x1e: {  	s7 =	smul.u32 @!p0 $0xF7A, s2;
	p2 =	seq.s32 @!p0 s5, $0x0  }
0x1f: {  	s9 =	smul.u32 $0xF7A, s1;
	s8 =	simm.s32 @!p0 $0x1BF5;
	p2 =	por !p2, p0  }
0x20: {  	[sflag:s8] =	ssyncset.s32 @!p0 $0xFFFFF086;
	s6 =	sadd.s32 @!p0 s3, s7;
	s7 =	simm.s32 @!p0 $0x108  }
0x21: {  	s3 =	sadd.s32 s3, s9;
	s6 =	sadd.s32 @!p0 $0x88, s6;
	s7 =	simm.s32 @p2 $0x1082  }
0x22: {  	[simem:s7], [sflag:s8] =	dma.local @!p0 [hbm:s6], $0xF7A  }
0x23: {  	s9 =	sor.u32 $0xD0000000, s2;
	s6 =	simm.s32 $0x108;
	_ =	swait.ge @!p0 [sflag:s8], $0x0  }
0x24: {  	s3 =	sadd.s32 $0x88, s3;
	s6 =	simm.s32 @!p1 $0x1082;
	[sflag:s4] =	ssyncset.s32 $0xFFFFF086  }
0x25: {  	[simem:s6], [sflag:s4] =	dma.local [hbm:s3], $0xF7A  }
0x26: {  	[smem:$0x3F9A] =	sst s1;
	(tag) =	ssettag s2;
	_ =	strace s9  }
0x27: {  	s1 =	sld [smem:$0x3FAA]  }
0x28: {  	s2 =	sld [smem:$0x3FAB]  }
0x29: {  	s4 =	sld [smem:$0x3FAD]  }
0x2a: {  	p0 =	seq.s32 s5, $0x0;
	s5 =	sld [smem:$0x3FAE]  }
0x2b: {  	s6 =	sld [smem:$0x3FAF]  }
0x2c: {  	s7 =	sld [smem:$0x3FB0]  }
0x2d: {  	s3 =	simm.s32 $0x108;
	s8 =	sld [smem:$0x3FB1]  }
0x2e: {  	s3 =	simm.s32 @!p0 $0x1082;
	s9 =	sld [smem:$0x3FB2]  }
0x2f: {  	lr =	sadd.s32 s0, s3;
	s0 =	sld [smem:$0x3FA9]  }
0x30: {  	s3 =	sld [smem:$0x3FAC]  }
0x31: {  	[smem:$0x3FB5] =	sst s10  }
0x32: {  	s10 =	sld [smem:$0x3FB3];
	_ =	sdelay $0x3  }
0x33: {  	p0 =	seq.s32 s10, $0x1;
	s10 =	sld [smem:$0x3FB5];
	_ =	sdelay $0x3  }
0x34: {  	[smem:$0x3FB5] =	sst s10  }
0x35: {  	s10 =	sld [smem:$0x3FB4];
	_ =	sdelay $0x3  }
0x36: {  	p1 =	seq.s32 s10, $0x1;
	s10 =	sld [smem:$0x3FB5];
	_ =	sdelay $0x3  }
0x37: {  	[smem:$0x3FB5] =	sst s10  }
0x38: {  	s10 =	sld [smem:$0x3FB6]  }
0x39: {  	_ = 	snop;
	(pc) =	sbr.ind lr, $3  }
0x3a: {  	_ = 	snop  }
0x3b: {  	_ = 	snop  }
0x3c: {  	p2 =	seq.s32 s10, $0x1;
	s10 =	sld [smem:$0x3FB5]  }
0x3d: {  	_ =	shalt  }
0x3e: {  	_ =	shalt  }
0x3f: {  	_ =	shalt  }
0x40: {  	_ =	shalt  }
0x41: {  	_ =	shalt  }
0x42: {  	_ =	shalt  }
0x43: {  	_ =	shalt  }
0x44: {  	_ =	shalt  }
0x45: {  	_ =	shalt  }
0x46: {  	_ =	shalt  }
0x47: {  	_ =	shalt  }
0x48: {  	_ =	shalt  }
0x49: {  	_ =	shalt  }
0x4a: {  	_ =	shalt  }
0x4b: {  	_ =	shalt  }
0x4c: {  	_ =	shalt  }
0x4d: {  	_ =	shalt  }
0x4e: {  	_ =	shalt  }
0x4f: {  	_ =	shalt  }
0x50: {  	_ =	shalt  }
0x51: {  	_ =	shalt  }
0x52: {  	_ =	shalt  }
0x53: {  	_ =	shalt  }
0x54: {  	_ =	shalt  }
0x55: {  	_ =	shalt  }
0x56: {  	_ =	shalt  }
0x57: {  	_ =	shalt  }
0x58: {  	_ =	shalt  }
0x59: {  	_ =	shalt  }
0x5a: {  	_ =	shalt  }
0x5b: {  	_ =	shalt  }
0x5c: {  	_ =	shalt  }
0x5d: {  	_ =	shalt  }
0x5e: {  	_ =	shalt  }
0x5f: {  	_ =	shalt  }
0x60: {  	_ =	shalt  }
0x61: {  	_ =	shalt  }
0x62: {  	_ =	shalt  }
0x63: {  	_ =	shalt  }
0x64: {  	_ =	shalt  }
0x65: {  	_ =	shalt  }
0x66: {  	_ =	shalt  }
0x67: {  	_ =	shalt  }
0x68: {  	_ =	shalt  }
0x69: {  	_ =	shalt  }
0x6a: {  	_ =	shalt  }
0x6b: {  	_ =	shalt  }
0x6c: {  	_ =	shalt  }
0x6d: {  	_ =	shalt  }
0x6e: {  	_ =	shalt  }
0x6f: {  	_ =	shalt  }
0x70: {  	_ =	shalt  }
0x71: {  	_ =	shalt  }
0x72: {  	_ =	shalt  }
0x73: {  	_ =	shalt  }
0x74: {  	_ =	shalt  }
0x75: {  	_ =	shalt  }
0x76: {  	_ =	shalt  }
0x77: {  	_ =	shalt  }
0x78: {  	_ =	shalt  }
0x79: {  	_ =	shalt  }
0x7a: {  	_ =	shalt  }
0x7b: {  	_ =	shalt  }
0x7c: {  	_ =	shalt  }
0x7d: {  	_ =	shalt  }
0x7e: {  	_ =	shalt  }
0x7f: {  	_ =	shalt  }
0x80: {  	_ =	shalt  }
0x81: {  	_ =	shalt  }
0x82: {  	_ =	shalt  }
0x83: {  	_ =	shalt  }
0x84: {  	_ =	shalt  }
0x85: {  	_ =	shalt  }
0x86: {  	_ =	shalt  }
0x87: {  	_ =	shalt  }
.Lfunc_end0:
.L_simem_size_0:
called_computation.1_lowered:
.L_overlay_start_0:
0x88: {  	s2 =	sld [smem:$0x3FD9]  }
0x89: {  	s3 =	sld [smem:$0x3FFE];
	_ =	sdelay $0x1  }
0x8a: {  	s1 =	srdreg.scid  }
0x8b: {  	s0 =	sand.u32 $0x1, s1  }
0x8c: {  	s17 =	sshll.u32 s0, $0xA;
	s2 =	sadd.s32 s3, s2  }
0x8d: {  	s2 =	sadd.s32 s2, s17  }
0x8e: {  	[smem:$0x3FC1] =	sst s2  }
0x8f: {  	_ = 	snop  }
0x90: {  	s18 =	sld [smem:$0x3FC7];
	(tm) =	ssettm $0x1  }
0x91: {  	s19 =	sld [smem:$0x3FFB];
	_ =	sdelay $0x3  }
0x92: {  	_ =	strace s19  }
0x93: {  	s2 =	sld [smem:$0x3FFC];
	_ =	sdelay $0x3  }
0x94: {  	_ =	strace s2  }
0x95: {  	s2 =	sld [smem:$0x3FFD];
	_ =	sdelay $0x3  }
0x96: {  	_ =	strace s2  }
0x97: {  	_ =	strace $0x8FFFFFFF  }
0x98: {  	s20 =	sld [smem:$0x3FDB];
	_ =	sdelay $0x1  }
0x99: {  	s4 =	simm.s32 $_scs_section_size  }
0x9a: {  	s5 =	simm.s32 $_size__tile_overlayer_lowered;
	s6 =	simm.s32 $_tile_overlayer_lowered  }
0x9b: {  	s7 =	simm.s32 $0x1BFF;
	s21 =	sshll.u32 s6, $0x1;
	s4 =	sadd.s32 s4, s20  }
0x9c: {  	s22 =	simm.s32 $0x0;
	s5 =	sshll.u32 s5, $0x1;
	s6 =	sadd.s32 s21, s4  }
0x9d: {  	[timem:s22], [sflag:s7] =	dma.local [hbm:s6], s5  }
0x9e: {  	_ =	swait.ge [sflag:s7], s5  }
0x9f: {  	s5 =	ssub.s32 $0x0, s5;
	[sflag:s7] =	ssyncset.done $0x0  }
0xa0: {  	[sflag:s7] =	ssyncadd.s32 s5;
	_ =	sdelay $0x1  }
0xa1: {  	s23 =	simm.s32 $0x1B8B  }
0xa2: {  	_ =	swait.ge [sflag:s23], $0x1  }
0xa3: {  	[sflag:s23] =	ssyncset.done $0x0  }
0xa4: {  	[sflag:s23] =	ssyncadd.s32 $0xFFFFFFFF  }
0xa5: {  	s5 =	sld [smem:$0x0]  }
0xa6: {  	s6 =	sand.u32 $0xFFFFFFFE, s1  }
0xa7: {  	p0 =	sne.s32 s1, s6  }
0xa8: {  	s6 =	sshll.u32 @p0 s6, $0xE  }
0xa9: {  	s6 =	sadd.s32 @p0 $0x11B8D, s6;
	s7 =	sshll.u32 @p0 s5, $0x11  }
0xaa: {  	s6 =	sor.u32 @p0 s7, s6  }
0xab: {  	[sflag:s6] =	ssyncadd.remote.s32 @p0 $0x1;
	_ =	sdelay $0x1  }
0xac: {  	s6 =	simm.s32 @p0 $0x1B8D  }
0xad: {  	_ =	swait.eq @p0 [sflag:s6], $0x1  }
0xae: {  	[sflag:s6] =	ssyncadd.s32 @p0 $0xFFFFFFFF  }
0xaf: {  	s7 =	sshll.u32 @!p0 s1, $0xE  }
0xb0: {  	s7 =	sor.u32 @!p0 $0x4000, s7;
	s6 =	simm.s32 @!p0 $0x1B8D  }
0xb1: {  	s5 =	sshll.u32 @!p0 s5, $0x11;
	s7 =	sadd.s32 @!p0 $0x11B8D, s7;
	_ =	swait.eq @!p0 [sflag:s6], $0x1  }
0xb2: {  	s5 =	sor.u32 @!p0 s5, s7;
	[sflag:s6] =	ssyncadd.s32 @!p0 $0xFFFFFFFF  }
0xb3: {  	s25 =	simm.s32 $0x1B8E;
	s24 =	sld [smem:$0x3FFE];
	[sflag:s5] =	ssyncadd.remote.s32 @!p0 $0x1  }
0xb4: {  	s26 =	simm.s32 $execute0_lowered;
	[smem:$0x3FD2] =	sst s25  }
0xb5: {  	s6 =	sshll.u32 s26, $0x1;
	_ =	strace $0x80000049;
	[dreg:$0x1] =	wrdreg $0xFFFFFFFF  }
0xb6: {  	s28 =	simm.s32 $_size_execute0_lowered;
	s4 =	sadd.s32 s4, s6;
	[dreg:$0x0] =	wrdreg $0x0  }
0xb7: {  	s6 =	sshll.u32 s28, $0x1;
	[dreg:$0x2] =	wrdreg s4  }
0xb8: {  	[dreg:$0x3] =	wrdreg s6  }
0xb9: {  	[dreg:$0x4] =	wrdreg $0xC0  }
0xba: {  	_ =	task [dreg:s22], $0x5FFFF  }
0xbb: {  	[dreg:$0x1] =	wrdreg $0xFFFFFFFF  }
0xbc: {  	[dreg:$0x0] =	wrdreg $0x60  }
0xbd: {  	[dreg:$0x2] =	wrdreg s18  }
0xbe: {  	[dreg:$0x3] =	wrdreg s24  }
0xbf: {  	[dreg:$0x4] =	wrdreg $0xA  }
0xc0: {  	_ =	task.clear_ibuf [dreg:s22], $0x5FFFF;
	_ =	strace $0x90000049  }
0xc1: {  	s29 =	simm.s32 $0xA;
	_ =	strace $0x8000004B  }
0xc2: {  	_ =	swait.ge [sflag:s29], $0x1  }
0xc3: {  	[sflag:s29] =	ssyncadd.s32 $0xFFFFFFFF  }
0xc4: {  	_ =	strace $0x9000004B  }
0xc5: {  	_ =	sfence  }
0xc6: {  	s30 =	sld [smem:$0x0];
	_ =	sdelay $0x2  }
0xc7: {  	s31 =	sshll.u32 s1, $0xD;
	s1 =	sshrl.u32 s1, $0x2  }
0xc8: {  	s4 =	sand.u32 $0x4000, s31;
	s1 =	sadd.s32 s1, s30  }
0xc9: {  	s0 =	sor.u32 s4, s0;
	s1 =	sshll.u32 s1, $0x11  }
0xca: {  	s0 =	sor.u32 s1, s0  }
0xcb: {  	s0 =	sadd.s32 $0x8F2B, s0  }
0xcc: {  	[sflag:s0] =	ssyncadd.remote.s32 $0x1  }
0xcd: {  	_ =	sfence.sel $0xFFFF  }
0xce: {  	[dreg:$0x0] =	wrdreg $0xFFFFFFFF;
	(pc) =	sbr.abs _section_cstart, $3  }
0xcf: {  	[dreg:$0x1] =	wrdreg $0xFFFFFFFF  }
0xd0: {  	_ =	task.clear_ibuf [dreg:s22], $0x2FFFF;
	_ =	strace $0x9FFFFFFF  }
0xd1: {  	(tm) =	ssettm $0x7FFFFFFF  }
tec
execute0_lowered:
.L_overlay_start_1:
0x0: {  	(tag) =	ssettag $0x1  }
0x1: {  	s2 =	rddreg [dreg:$0x0]  }
0x2: {  	s4 =	rddreg [dreg:$0x1];
	s3 =	simm.s32 $0x0  }
0x3: {  	s21 =	simm.s32 $0x880;
	[smem:$0x7FF] =	sst s3  }
0x4: {  	s22 =	simm.s32 $0x1080;
	_ =	strace $0x8000004A;
	[dreg:$0x6] =	wrdreg s21  }
0x5: {  	s23 =	simm.s32 $0x1880;
	[dreg:$0x7] =	wrdreg s22  }
0x6: {  	s24 =	simm.s32 $0x2080;
	[dreg:$0x8] =	wrdreg s23  }
0x7: {  	s25 =	simm.s32 $0x2880;
	[dreg:$0x9] =	wrdreg s24  }
0x8: {  	s0 =	stileid.u32;
	s26 =	simm.s32 $0x3080;
	[dreg:$0xa] =	wrdreg s25  }
0x9: {  	s5 =	sshll.u32 s0, $0x5;
	s0 =	simm.s32 $0x3880;
	[dreg:$0xb] =	wrdreg s26  }
0xa: {  	s8 =	simm.s32 $0x5880;
	[dreg:$0xc] =	wrdreg s0  }
0xb: {  	s9 =	simm.s32 $0x6080;
	[dreg:$0x10] =	wrdreg s8  }
0xc: {  	s10 =	simm.s32 $0x6880;
	[dreg:$0x11] =	wrdreg s9  }
0xd: {  	s11 =	simm.s32 $0x7080;
	[dreg:$0x12] =	wrdreg s10  }
0xe: {  	s1 =	srdreg.scid;
	s12 =	simm.s32 $0x7880;
	[dreg:$0x13] =	wrdreg s11  }
0xf: {  	s13 =	simm.s32 $0x8080;
	s14 =	simm.s32 $0x8880;
	[dreg:$0x14] =	wrdreg s12  }
0x10: {  	s15 =	simm.s32 $0x9080;
	s16 =	simm.s32 $0x9880;
	[dreg:$0x15] =	wrdreg s13  }
0x11: {  	s17 =	simm.s32 $0xA080;
	s18 =	simm.s32 $0xA880;
	[dreg:$0x16] =	wrdreg s14  }
0x12: {  	s20 =	simm.s32 $0xB080;
	s28 =	simm.s32 $0x17880;
	[dreg:$0x17] =	wrdreg s15  }
0x13: {  	s29 =	simm.s32 $0x1;
	s30 =	simm.s32 $0x2;
	[dreg:$0x18] =	wrdreg s16  }
0x14: {  	s31 =	simm.s32 $0x3;
	s1 =	sand.u32 $0x1, s1;
	[dreg:$0x19] =	wrdreg s17  }
0x15: {  	s6 =	sshll.u32 s1, $0x4;
	s1 =	ssub.s32 $0x2, s1;
	[dreg:$0x1a] =	wrdreg s18  }
0x16: {  	[dreg:$0x1b] =	wrdreg s20;
	s21 =	simm.s32 $0xB880;
	s22 =	simm.s32 $0xC880  }
0x17: {  	s23 =	simm.s32 $0xD080;
	s24 =	simm.s32 $0xD880;
	s25 =	simm.s32 $0xE080  }
0x18: {  	s8 =	simm.s32 $0x80;
	s26 =	simm.s32 $0xE880;
	s9 =	simm.s32 $0xC080  }
0x19: {  	s11 =	simm.s32 $0xF880;
	s12 =	simm.s32 $0x10080;
	[dreg:$0x1c] =	wrdreg s21  }
0x1a: {  	s13 =	simm.s32 $0x10880;
	s14 =	simm.s32 $0x11080;
	[dreg:$0x1d] =	wrdreg s22  }
0x1b: {  	s15 =	simm.s32 $0x11880;
	s16 =	simm.s32 $0x12080;
	[dreg:$0x1e] =	wrdreg s23  }
0x1c: {  	s17 =	simm.s32 $0x12880;
	s18 =	simm.s32 $0x13080;
	[dreg:$0x1f] =	wrdreg s24  }
0x1d: {  	s20 =	simm.s32 $0x14080;
	s5 =	sor.u32 s6, s5;
	[smem:$0x7FC] =	sst s25  }
0x1e: {  	s19 =	sshrl.u32 s1, $0x1;
	[smem:$0x7FD] =	sst s26;
	s21 =	simm.s32 $0x14880  }
0x1f: {  	s22 =	simm.s32 $0x15080;
	s23 =	simm.s32 $0x15880;
	s24 =	simm.s32 $0x16080  }
0x20: {  	s25 =	simm.s32 $0x16880;
	s26 =	simm.s32 $0x17080;
	s6 =	smul.u32 $0x1800, s5  }
0x21: {  	s7 =	sadd.s32 s5, s4;
	s5 =	smul.u32 $0x300, s5;
	s4 =	sadd.s32 $0x1E00, s4  }
0x22: {  	s1 =	ssub.s32 s1, s19;
	s19 =	simm.s32 $0x13880;
	s7 =	sadd.s32 $0x1C00, s7  }
0x23: {  	s6 =	sshrl.u32 s6, $0x3;
	[dreg:$0x3] =	wrdreg s7;
	s5 =	sadd.s32 s4, s5  }
0x24: {  	s7 =	simm.s32 $0x5080;
	s4 =	sadd.s32 s4, s6;
	[dreg:$0x4] =	wrdreg s5  }
0x25: {  	s5 =	simm.s32 $0x4080;
	s6 =	simm.s32 $0x4880;
	[dreg:$0xf] =	wrdreg s7  }
0x26: {  	v2 =	vlaneseq.u32;
	s7 =	simm.s32 $0x5;
	s4 =	sadd.s32 $0x1800, s4;
	[dreg:$0xd] =	wrdreg s5  }
0x27: {  	vm0 =	vmmov $0xffff;
	v1 =	vshrl.u32 v2, $0x3;
	[dreg:$0xe] =	wrdreg s6;
	s5 =	sadd.s32 $0x200, s2;
	s6 =	smax.u32 s1, $0x1  }
0x28: {  	v0 =	vand.u32 $0x7, v2;
	v2 =	vor.u32 $0x8, v2;
	v1 =	vmul.u32 $0x8, v1;
	s1 =	simm.s32 $0x4;
	[dreg:$0x5] =	wrdreg s4;
	s4 =	sadd.s32 $0x100, s2  }
.LBB2_1:
0x29: {  	s0 =	rddreg [dreg:$0x3]  }
0x2a: {  	[tilespmem:s3], [sflag:$0x5] =	stream.linear.gather [hbm4b:s0+s3], $0x80, $0x38;
	[tilespmem:$0x18080] =	vst v63  }
0x2b: {  	_ =	swait.ge [sflag:s7], $0x80  }
0x2c: {  	[sflag:s7] =	ssyncset.done $0x0  }
0x2d: {  	[sflag:s7] =	ssyncadd.s32 $0xFFFFFF80  }
0x2e: {  	v3 =	vld [tilespmem:$0x0];
	_ =	sdelay $0x4  }
0x2f: {  	v4 =	vshrl.u32 v3, $0x3  }
0x30: {  	v4 =	vmul.u32 $0x30, v4  }
0x31: {  	v3 =	vand.u32 $0x7, v3  }
0x32: {  	v3 =	vor.u32 v3, v4  }
0x33: {  	v4 =	vperm.xlane v3, v0;
	_ =	sdelay $0x1  }
0x34: {  	v4 =	vadd.s32 v1, v4;
	_ =	sdelay $0x3  }
0x35: {  	v3 =	vperm.xlane v3, v2  }
0x36: {  	[tilespmem:s8], [sflag:$0x1] =	stream.indirect_vreg.gather [hbm4b:s2+s3], $0x80, v4, vm0, $0xb8;
	[tilespmem:$0x18080] =	vst v63  }
0x37: {  	s0 =	rddreg [dreg:$0x6];
	v3 =	vadd.s32 v1, v3  }
0x38: {  	[tilespmem:s0], [sflag:$0x1] =	stream.indirect_vreg.gather [hbm4b:s4+s3], $0x80, v4, vm0, $0xb8;
	[tilespmem:$0x18080] =	vst v63  }
0x39: {  	s10 =	rddreg [dreg:$0x7]  }
0x3a: {  	[tilespmem:s10], [sflag:$0x1] =	stream.indirect_vreg.gather [hbm4b:s5+s3], $0x80, v4, vm0, $0xb8;
	[tilespmem:$0x18080] =	vst v63  }
0x3b: {  	s0 =	rddreg [dreg:$0x8]  }
0x3c: {  	[tilespmem:s0], [sflag:$0x1] =	stream.indirect_vreg.gather [hbm4b:s2+s3], $0x80, v3, vm0, $0xb8;
	[tilespmem:$0x18080] =	vst v63  }
0x3d: {  	s10 =	rddreg [dreg:$0x9]  }
0x3e: {  	[tilespmem:s10], [sflag:$0x1] =	stream.indirect_vreg.gather [hbm4b:s4+s3], $0x80, v3, vm0, $0xb8;
	[tilespmem:$0x18080] =	vst v63  }
0x3f: {  	s0 =	rddreg [dreg:$0xa]  }
0x40: {  	[tilespmem:s0], [sflag:$0x1] =	stream.indirect_vreg.gather [hbm4b:s5+s3], $0x80, v3, vm0, $0xb8;
	[tilespmem:$0x18080] =	vst v63  }
0x41: {  	v3 =	vld [tilespmem:$0x10];
	_ =	sdelay $0x4  }
0x42: {  	v57 =	vshrl.u32 v3, $0x3  }
0x43: {  	v4 =	vmul.u32 $0x30, v57  }
0x44: {  	v3 =	vand.u32 $0x7, v3  }
0x45: {  	v3 =	vor.u32 v3, v4  }
0x46: {  	v4 =	vperm.xlane v3, v0;
	_ =	sdelay $0x1  }
0x47: {  	v4 =	vadd.s32 v1, v4;
	_ =	sdelay $0x3  }
0x48: {  	s0 =	rddreg [dreg:$0xb];
	v3 =	vperm.xlane v3, v2  }
0x49: {  	[tilespmem:s0], [sflag:$0x1] =	stream.indirect_vreg.gather [hbm4b:s2+s3], $0x80, v4, vm0, $0xb8;
	[tilespmem:$0x18080] =	vst v63  }
0x4a: {  	s10 =	rddreg [dreg:$0xc];
	v3 =	vadd.s32 v1, v3  }
0x4b: {  	[tilespmem:s10], [sflag:$0x1] =	stream.indirect_vreg.gather [hbm4b:s4+s3], $0x80, v4, vm0, $0xb8;
	[tilespmem:$0x18080] =	vst v63  }
0x4c: {  	s0 =	rddreg [dreg:$0xd]  }
0x4d: {  	[tilespmem:s0], [sflag:$0x1] =	stream.indirect_vreg.gather [hbm4b:s5+s3], $0x80, v4, vm0, $0xb8;
	[tilespmem:$0x18080] =	vst v63  }
0x4e: {  	s10 =	rddreg [dreg:$0xe]  }
0x4f: {  	[tilespmem:s10], [sflag:$0x1] =	stream.indirect_vreg.gather [hbm4b:s2+s3], $0x80, v3, vm0, $0xb8;
	[tilespmem:$0x18080] =	vst v63  }
0x50: {  	s0 =	rddreg [dreg:$0xf]  }
0x51: {  	[tilespmem:s0], [sflag:$0x1] =	stream.indirect_vreg.gather [hbm4b:s4+s3], $0x80, v3, vm0, $0xb8;
	[tilespmem:$0x18080] =	vst v63  }
0x52: {  	s10 =	rddreg [dreg:$0x10]  }
0x53: {  	[tilespmem:s10], [sflag:$0x1] =	stream.indirect_vreg.gather [hbm4b:s5+s3], $0x80, v3, vm0, $0xb8;
	[tilespmem:$0x18080] =	vst v63  }
0x54: {  	v3 =	vld [tilespmem:$0x20];
	_ =	sdelay $0x4  }
0x55: {  	v58 =	vshrl.u32 v3, $0x3  }
0x56: {  	v4 =	vmul.u32 $0x30, v58  }
0x57: {  	v3 =	vand.u32 $0x7, v3  }
0x58: {  	v3 =	vor.u32 v3, v4  }
0x59: {  	v4 =	vperm.xlane v3, v0;
	_ =	sdelay $0x1  }
0x5a: {  	v4 =	vadd.s32 v1, v4;
	_ =	sdelay $0x3  }
0x5b: {  	s0 =	rddreg [dreg:$0x11];
	v3 =	vperm.xlane v3, v2  }
0x5c: {  	[tilespmem:s0], [sflag:$0x1] =	stream.indirect_vreg.gather [hbm4b:s2+s3], $0x80, v4, vm0, $0xb8;
	[tilespmem:$0x18080] =	vst v63  }
0x5d: {  	s10 =	rddreg [dreg:$0x12];
	v3 =	vadd.s32 v1, v3  }
0x5e: {  	[tilespmem:s10], [sflag:$0x1] =	stream.indirect_vreg.gather [hbm4b:s4+s3], $0x80, v4, vm0, $0xb8;
	[tilespmem:$0x18080] =	vst v63  }
0x5f: {  	s0 =	rddreg [dreg:$0x13]  }
0x60: {  	[tilespmem:s0], [sflag:$0x1] =	stream.indirect_vreg.gather [hbm4b:s5+s3], $0x80, v4, vm0, $0xb8;
	[tilespmem:$0x18080] =	vst v63  }
0x61: {  	s10 =	rddreg [dreg:$0x14]  }
0x62: {  	[tilespmem:s10], [sflag:$0x1] =	stream.indirect_vreg.gather [hbm4b:s2+s3], $0x80, v3, vm0, $0xb8;
	[tilespmem:$0x18080] =	vst v63  }
0x63: {  	s0 =	rddreg [dreg:$0x15]  }
0x64: {  	[tilespmem:s0], [sflag:$0x1] =	stream.indirect_vreg.gather [hbm4b:s4+s3], $0x80, v3, vm0, $0xb8;
	[tilespmem:$0x18080] =	vst v63  }
0x65: {  	s10 =	rddreg [dreg:$0x16]  }
0x66: {  	[tilespmem:s10], [sflag:$0x1] =	stream.indirect_vreg.gather [hbm4b:s5+s3], $0x80, v3, vm0, $0xb8;
	[tilespmem:$0x18080] =	vst v63  }
0x67: {  	v3 =	vld [tilespmem:$0x30];
	_ =	sdelay $0x4  }
0x68: {  	v59 =	vshrl.u32 v3, $0x3  }
0x69: {  	v4 =	vmul.u32 $0x30, v59  }
0x6a: {  	v3 =	vand.u32 $0x7, v3  }
0x6b: {  	v3 =	vor.u32 v3, v4  }
0x6c: {  	v4 =	vperm.xlane v3, v0;
	_ =	sdelay $0x1  }
0x6d: {  	v4 =	vadd.s32 v1, v4;
	_ =	sdelay $0x3  }
0x6e: {  	s0 =	rddreg [dreg:$0x17];
	v3 =	vperm.xlane v3, v2  }
0x6f: {  	[tilespmem:s0], [sflag:$0x1] =	stream.indirect_vreg.gather [hbm4b:s2+s3], $0x80, v4, vm0, $0xb8;
	[tilespmem:$0x18080] =	vst v63  }
0x70: {  	s10 =	rddreg [dreg:$0x18];
	v3 =	vadd.s32 v1, v3  }
0x71: {  	[tilespmem:s10], [sflag:$0x1] =	stream.indirect_vreg.gather [hbm4b:s4+s3], $0x80, v4, vm0, $0xb8;
	[tilespmem:$0x18080] =	vst v63  }
0x72: {  	s0 =	rddreg [dreg:$0x19]  }
0x73: {  	[tilespmem:s0], [sflag:$0x1] =	stream.indirect_vreg.gather [hbm4b:s5+s3], $0x80, v4, vm0, $0xb8;
	[tilespmem:$0x18080] =	vst v63  }
0x74: {  	s10 =	rddreg [dreg:$0x1a]  }
0x75: {  	[tilespmem:s10], [sflag:$0x1] =	stream.indirect_vreg.gather [hbm4b:s2+s3], $0x80, v3, vm0, $0xb8;
	[tilespmem:$0x18080] =	vst v63  }
0x76: {  	s0 =	rddreg [dreg:$0x1b]  }
0x77: {  	[tilespmem:s0], [sflag:$0x1] =	stream.indirect_vreg.gather [hbm4b:s4+s3], $0x80, v3, vm0, $0xb8;
	[tilespmem:$0x18080] =	vst v63  }
0x78: {  	s10 =	rddreg [dreg:$0x1c]  }
0x79: {  	[tilespmem:s10], [sflag:$0x1] =	stream.indirect_vreg.gather [hbm4b:s5+s3], $0x80, v3, vm0, $0xb8;
	[tilespmem:$0x18080] =	vst v63  }
0x7a: {  	v3 =	vld [tilespmem:$0x40];
	_ =	sdelay $0x4  }
0x7b: {  	v60 =	vshrl.u32 v3, $0x3  }
0x7c: {  	v4 =	vmul.u32 $0x30, v60  }
0x7d: {  	v3 =	vand.u32 $0x7, v3  }
0x7e: {  	v3 =	vor.u32 v3, v4  }
0x7f: {  	v4 =	vperm.xlane v3, v0;
	_ =	sdelay $0x1  }
0x80: {  	v4 =	vadd.s32 v1, v4;
	_ =	sdelay $0x3  }
0x81: {  	s0 =	rddreg [dreg:$0x1d];
	v3 =	vperm.xlane v3, v2  }
0x82: {  	[tilespmem:s9], [sflag:$0x2] =	stream.indirect_vreg.gather [hbm4b:s2+s3], $0x80, v4, vm0, $0xb8;
	[tilespmem:$0x18080] =	vst v63  }
0x83: {  	s10 =	rddreg [dreg:$0x1e];
	v3 =	vadd.s32 v1, v3  }
0x84: {  	[tilespmem:s0], [sflag:$0x2] =	stream.indirect_vreg.gather [hbm4b:s4+s3], $0x80, v4, vm0, $0xb8;
	[tilespmem:$0x18080] =	vst v63  }
0x85: {  	s0 =	rddreg [dreg:$0x1f]  }
0x86: {  	[tilespmem:s10], [sflag:$0x2] =	stream.indirect_vreg.gather [hbm4b:s5+s3], $0x80, v4, vm0, $0xb8;
	[tilespmem:$0x18080] =	vst v63  }
0x87: {  	s10 =	sld [smem:$0x7FC]  }
0x88: {  	[tilespmem:s0], [sflag:$0x2] =	stream.indirect_vreg.gather [hbm4b:s2+s3], $0x80, v3, vm0, $0xb8;
	[tilespmem:$0x18080] =	vst v63  }
0x89: {  	s0 =	sld [smem:$0x7FD]  }
0x8a: {  	[tilespmem:s10], [sflag:$0x2] =	stream.indirect_vreg.gather [hbm4b:s4+s3], $0x80, v3, vm0, $0xb8;
	[tilespmem:$0x18080] =	vst v63  }
0x8b: {  	_ = 	snop  }
0x8c: {  	[tilespmem:s0], [sflag:$0x2] =	stream.indirect_vreg.gather [hbm4b:s5+s3], $0x80, v3, vm0, $0xb8;
	[tilespmem:$0x18080] =	vst v63  }
0x8d: {  	v3 =	vld [tilespmem:$0x50];
	_ =	sdelay $0x4  }
0x8e: {  	v61 =	vshrl.u32 v3, $0x3  }
0x8f: {  	v4 =	vmul.u32 $0x30, v61  }
0x90: {  	v3 =	vand.u32 $0x7, v3  }
0x91: {  	v3 =	vor.u32 v3, v4  }
0x92: {  	v4 =	vperm.xlane v3, v0;
	_ =	sdelay $0x1  }
0x93: {  	v4 =	vadd.s32 v1, v4;
	_ =	sdelay $0x3  }
0x94: {  	s10 =	simm.s32 $0xF080;
	v3 =	vperm.xlane v3, v2  }
0x95: {  	[tilespmem:s10], [sflag:$0x2] =	stream.indirect_vreg.gather [hbm4b:s2+s3], $0x80, v4, vm0, $0xb8;
	[tilespmem:$0x18080] =	vst v63  }
0x96: {  	v3 =	vadd.s32 v1, v3  }
0x97: {  	[tilespmem:s11], [sflag:$0x2] =	stream.indirect_vreg.gather [hbm4b:s4+s3], $0x80, v4, vm0, $0xb8;
	[tilespmem:$0x18080] =	vst v63  }
0x98: {  	_ = 	snop  }
0x99: {  	[tilespmem:s12], [sflag:$0x2] =	stream.indirect_vreg.gather [hbm4b:s5+s3], $0x80, v4, vm0, $0xb8;
	[tilespmem:$0x18080] =	vst v63  }
0x9a: {  	_ = 	snop  }
0x9b: {  	[tilespmem:s13], [sflag:$0x2] =	stream.indirect_vreg.gather [hbm4b:s2+s3], $0x80, v3, vm0, $0xb8;
	[tilespmem:$0x18080] =	vst v63  }
0x9c: {  	_ = 	snop  }
0x9d: {  	[tilespmem:s14], [sflag:$0x2] =	stream.indirect_vreg.gather [hbm4b:s4+s3], $0x80, v3, vm0, $0xb8;
	[tilespmem:$0x18080] =	vst v63  }
0x9e: {  	_ = 	snop  }
0x9f: {  	[tilespmem:s15], [sflag:$0x2] =	stream.indirect_vreg.gather [hbm4b:s5+s3], $0x80, v3, vm0, $0xb8;
	[tilespmem:$0x18080] =	vst v63  }
0xa0: {  	v3 =	vld [tilespmem:$0x60];
	_ =	sdelay $0x4  }
0xa1: {  	v62 =	vshrl.u32 v3, $0x3  }
0xa2: {  	v4 =	vmul.u32 $0x30, v62  }
0xa3: {  	v3 =	vand.u32 $0x7, v3  }
0xa4: {  	v3 =	vor.u32 v3, v4  }
0xa5: {  	v4 =	vperm.xlane v3, v0;
	_ =	sdelay $0x1  }
0xa6: {  	v4 =	vadd.s32 v1, v4;
	_ =	sdelay $0x3  }
0xa7: {  	v3 =	vperm.xlane v3, v2  }
0xa8: {  	[tilespmem:s16], [sflag:$0x2] =	stream.indirect_vreg.gather [hbm4b:s2+s3], $0x80, v4, vm0, $0xb8;
	[tilespmem:$0x18080] =	vst v63  }
0xa9: {  	v3 =	vadd.s32 v1, v3  }
0xaa: {  	[tilespmem:s17], [sflag:$0x2] =	stream.indirect_vreg.gather [hbm4b:s4+s3], $0x80, v4, vm0, $0xb8;
	[tilespmem:$0x18080] =	vst v63  }
0xab: {  	_ = 	snop  }
0xac: {  	[tilespmem:s18], [sflag:$0x2] =	stream.indirect_vreg.gather [hbm4b:s5+s3], $0x80, v4, vm0, $0xb8;
	[tilespmem:$0x18080] =	vst v63  }
0xad: {  	_ = 	snop  }
0xae: {  	[tilespmem:s19], [sflag:$0x2] =	stream.indirect_vreg.gather [hbm4b:s2+s3], $0x80, v3, vm0, $0xb8;
	[tilespmem:$0x18080] =	vst v63  }
0xaf: {  	_ = 	snop  }
0xb0: {  	[tilespmem:s20], [sflag:$0x2] =	stream.indirect_vreg.gather [hbm4b:s4+s3], $0x80, v3, vm0, $0xb8;
	[tilespmem:$0x18080] =	vst v63  }
0xb1: {  	_ = 	snop  }
0xb2: {  	[tilespmem:s21], [sflag:$0x2] =	stream.indirect_vreg.gather [hbm4b:s5+s3], $0x80, v3, vm0, $0xb8;
	[tilespmem:$0x18080] =	vst v63  }
0xb3: {  	v3 =	vld [tilespmem:$0x70];
	_ =	sdelay $0x4  }
0xb4: {  	v63 =	vshrl.u32 v3, $0x3  }
0xb5: {  	v4 =	vmul.u32 $0x30, v63  }
0xb6: {  	v3 =	vand.u32 $0x7, v3  }
0xb7: {  	v3 =	vor.u32 v3, v4  }
0xb8: {  	v4 =	vperm.xlane v3, v0;
	_ =	sdelay $0x1  }
0xb9: {  	v4 =	vadd.s32 v1, v4;
	_ =	sdelay $0x3  }
0xba: {  	v3 =	vperm.xlane v3, v2  }
0xbb: {  	[tilespmem:s22], [sflag:$0x2] =	stream.indirect_vreg.gather [hbm4b:s2+s3], $0x80, v4, vm0, $0xb8;
	[tilespmem:$0x18080] =	vst v63  }
0xbc: {  	v3 =	vadd.s32 v1, v3  }
0xbd: {  	[tilespmem:s23], [sflag:$0x2] =	stream.indirect_vreg.gather [hbm4b:s4+s3], $0x80, v4, vm0, $0xb8;
	[tilespmem:$0x18080] =	vst v63  }
0xbe: {  	_ = 	snop  }
0xbf: {  	[tilespmem:s24], [sflag:$0x2] =	stream.indirect_vreg.gather [hbm4b:s5+s3], $0x80, v4, vm0, $0xb8;
	[tilespmem:$0x18080] =	vst v63  }
0xc0: {  	_ = 	snop  }
0xc1: {  	[tilespmem:s25], [sflag:$0x2] =	stream.indirect_vreg.gather [hbm4b:s2+s3], $0x80, v3, vm0, $0xb8;
	[tilespmem:$0x18080] =	vst v63  }
0xc2: {  	_ = 	snop  }
0xc3: {  	[tilespmem:s26], [sflag:$0x2] =	stream.indirect_vreg.gather [hbm4b:s4+s3], $0x80, v3, vm0, $0xb8;
	[tilespmem:$0x18080] =	vst v63  }
0xc4: {  	_ = 	snop  }
0xc5: {  	[tilespmem:s28], [sflag:$0x2] =	stream.indirect_vreg.gather [hbm4b:s5+s3], $0x80, v3, vm0, $0xb8;
	[tilespmem:$0x18080] =	vst v63  }
0xc6: {  	_ =	swait.ge [sflag:s29], $0xC000  }
0xc7: {  	[sflag:s29] =	ssyncset.done $0x0  }
0xc8: {  	s10 =	rddreg [dreg:$0x4];
	[sflag:s29] =	ssyncadd.s32 $0xFFFF4000  }
0xc9: {  	[hbm4b:s10+s3] =	stream.linear.scatter [tilespmem:s8], [sflag:$0x3], $0xC000, $0x38;
	[tilespmem:$0x18080] =	vst v63  }
0xca: {  	_ =	swait.ge [sflag:s30], $0xC000  }
0xcb: {  	[sflag:s30] =	ssyncset.done $0x0  }
0xcc: {  	s10 =	rddreg [dreg:$0x5];
	[sflag:s30] =	ssyncadd.s32 $0xFFFF4000  }
0xcd: {  	[hbm4b:s10+s3] =	stream.linear.scatter [tilespmem:s9], [sflag:$0x4], $0xC000, $0x38;
	[tilespmem:$0x18080] =	vst v63  }
0xce: {  	p0 =	sne.s32 s6, $0x1;
	_ =	swait.ge [sflag:s31], $0xC000  }
.Ltmp0:
0xcf: {  	[sflag:s31] =	ssyncset.done $0x0;
	(pc) =	sbr.rel @p0 .LBB2_1-.Ltmp0, $4  }
0xd0: {  	[sflag:s31] =	ssyncadd.s32 $0xFFFF4000  }
0xd1: {  	_ =	swait.ge [sflag:s1], $0xC000  }
0xd2: {  	[sflag:s1] =	ssyncset.done $0x0  }
0xd3: {  	s6 =	sadd.s32 $0xFFFFFFFF, s6;
	[sflag:s1] =	ssyncadd.s32 $0xFFFF4000  }
0xd4: {  	_ =	sfence.sel $0x180000  }
0xd5: {  	[bflag:$0x0] =	sbarrier.arrive $0xFFFF  }
0xd6: {  	_ =	strace $0x9000004A  }
0xd7: {  	s0 =	stileid.u32;
	[bflag:$0x2] =	sbarrier.arrive $0xFFFF  }
0xd8: {  	p0 =	sne.s32 s0, $0x0;
	s0 =	rddreg [dreg:$0x2]  }
0xd9: {  	s0 =	sadd.s32 @!p0 $0x100000, s0  }
0xda: {  	[sflag:s0] =	ssyncadd.tile.s32 @!p0 $0x1;
	_ =	shalt  }
.Lfunc_end2:
_tile_overlayer_lowered:
.L_overlay_start_2:
0xdb: {  	(tag) =	ssettag $0x2  }
0xdc: {  	s0 =	rddreg [dreg:$0x0];
	s2 =	stileid.u32  }
0xdd: {  	s1 =	rddreg [dreg:$0x1];
	p0 =	sne.s32 s2, $0x0  }
0xde: {  	s3 =	rddreg [dreg:$0x2];
	[bflag:$0x3] =	sbarrier.arrive $0xFFFF;
	s2 =	simm.s32 @!p0 $0x1C05  }
0xdf: {  	[timem:s3], [sflag:s2] =	dma.local @!p0 [hbm:s0], s1  }
0xe0: {  	s0 =	simm.s32 @!p0 $0x5  }
0xe1: {  	_ =	swait.ge @!p0 [sflag:s0], s1  }
0xe2: {  	s1 =	ssub.s32 @!p0 $0x0, s1;
	[sflag:s0] =	ssyncset.done @!p0 $0x0  }
0xe3: {  	[sflag:s0] =	ssyncadd.s32 @!p0 s1  }
0xe4: {  	[bflag:$0x3] =	sbarrier.arrive $0xFFFF  }
0xe5: {  	_ =	shalt  }

</sc_bundles>
